<compile_context>
chip_gen: v7x
topology: tpu7x:2x2x1
jax: 0.10.2.dev20260603
libtpu: 0.0.44.dev20260713+nightly
codegen_flags: <defaults>
</compile_context>

<pallas_src>
import functools

import jax
import jax.numpy as jnp
from jax import lax
from jax.experimental import pallas as pl
from jax.experimental.pallas import tpu as pltpu
from jax.experimental.pallas import tpu_sc as plsc

VOCAB = 1_000_000
D = 32
B = 16384
H = 50
NIDX = B * H
NC, NS = 2, 16
NW = NC * NS

VA = 31232
VBLK = 512
NBLK = VA // VBLK
NBLK_PAD = NBLK + 1
TAIL_V0 = 999936

IBLK = 512
NB_BLK = (NIDX // NW) // IBLK


def _mesh():
    return plsc.VectorSubcoreMesh(
        core_axis_name="c", subcore_axis_name="s",
        num_cores=NC, num_subcores=NS,
    )


@jax.jit
def _transpose_table(tab_t):

    @functools.partial(
        pl.kernel,
        out_type=jax.ShapeDtypeStruct((VOCAB * D,), jnp.float32),
        mesh=_mesh(),
        scratch_types=[
            pltpu.VMEM((D, VBLK), jnp.float32),
            pltpu.VMEM((D, VBLK), jnp.float32),
            pltpu.VMEM((VBLK * D,), jnp.float32),
            pltpu.VMEM((VBLK * D,), jnp.float32),
            pltpu.VMEM((D, 64), jnp.float32),
            pltpu.SemaphoreType.DMA,
            pltpu.SemaphoreType.DMA,
            pltpu.SemaphoreType.DMA,
            pltpu.SemaphoreType.DMA,
        ],
        compiler_params=pltpu.CompilerParams(needs_layout_passes=False),
    )
    def k(tab_hbm, scr_hbm, tbuf0, tbuf1, obuf0, obuf1, tbuf2,
          si0, si1, so0, so1):
        wid = lax.axis_index("s") * NC + lax.axis_index("c")
        nmine = NBLK + jnp.where(wid == NW - 1, 1, 0)
        tbufs = (tbuf0, tbuf1)
        obufs = (obuf0, obuf1)
        sis = (si0, si1)
        sos = (so0, so1)
        biota = lax.iota(jnp.int32, 16)

        def in_desc(kk, bb):
            v0 = wid * VA + kk * VBLK
            return pltpu.make_async_copy(
                tab_hbm.at[:, pl.ds(v0, VBLK)], tbufs[bb], sis[bb])

        def out_desc(kk, bb):
            v0 = wid * VA + kk * VBLK
            return pltpu.make_async_copy(
                obufs[bb], scr_hbm.at[pl.ds(v0 * D, VBLK * D)], sos[bb])

        def transpose_block(tbuf, obuf, width):
            def jloop(j, carry):
                dvec = lax.rem(biota + j % 16, 16) + (j // 16) * 16
                pvec = biota * D + dvec

                @plsc.parallel_loop(0, width // 16, unroll=8)
                def vloop(vg):
                    vvec = biota + vg * 16
                    x16 = plsc.load_gather(tbuf, [dvec, vvec])
                    plsc.store_scatter(obuf, [pvec + vg * (16 * D)], x16)

                return carry

            lax.fori_loop(0, D, jloop, 0)

        in_desc(0, 0).start()
        in_desc(1, 1).start()

        def body(p, carry):
            for bb in range(2):
                kk = 2 * p + bb

                @pl.when(kk < nmine)
                def _():
                    in_desc(kk, bb).wait()

                    @pl.when(p > 0)
                    def _():
                        out_desc(kk, bb).wait()

                    transpose_block(tbufs[bb], obufs[bb], VBLK)
                    out_desc(kk, bb).start()

                    @pl.when(kk + 2 < nmine)
                    def _():
                        in_desc(kk + 2, bb).start()
            return carry

        lax.fori_loop(0, NBLK_PAD // 2, body, 0)
        out_desc(0, 0).wait()
        out_desc(0, 1).wait()

        @pl.when(wid == NW - 1)
        def _():
            pltpu.sync_copy(tab_hbm.at[:, pl.ds(TAIL_V0, 64)], tbuf2)
            transpose_block(tbuf2, obuf0, 64)
            pltpu.sync_copy(
                obuf0.at[pl.ds(0, 64 * D)],
                scr_hbm.at[pl.ds(TAIL_V0 * D, 64 * D)])

    return k(tab_t)


@jax.jit
def _gather_format(idx_t, scr):
    scr2 = scr.reshape(VOCAB, D)

    @functools.partial(
        pl.kernel,
        out_type=jax.ShapeDtypeStruct((H, 4, 128, 8, 128), jnp.float32),
        mesh=_mesh(),
        scratch_types=[
            pltpu.VMEM((IBLK,), jnp.int32),
            pltpu.VMEM((IBLK,), jnp.int32),
            pltpu.VMEM((IBLK, D), jnp.float32),
            pltpu.VMEM((IBLK, D), jnp.float32),
            pltpu.VMEM((D, 513), jnp.float32),
            pltpu.VMEM((D, 513), jnp.float32),
            pltpu.SemaphoreType.DMA,
            pltpu.SemaphoreType.DMA,
            pltpu.SemaphoreType.DMA,
            pltpu.SemaphoreType.DMA,
            pltpu.SemaphoreType.DMA,
            pltpu.SemaphoreType.DMA,
        ],
        compiler_params=pltpu.CompilerParams(
            use_tc_tiling_on_sc=False, needs_layout_passes=False),
    )
    def k(idx_hbm, scr_hbm, out_hbm, idxv0, idxv1, rows0, rows1,
          obuf0, obuf1, si0, si1, sg0, sg1, so0, so1):
        wid = lax.axis_index("s") * NC + lax.axis_index("c")
        idxvs = (idxv0, idxv1)
        rowss = (rows0, rows1)
        obufs = (obuf0, obuf1)
        sis = (si0, si1)
        sgs = (sg0, sg1)
        sos = (so0, so1)
        dlo = lax.iota(jnp.int32, 16)
        dhi = dlo + 16

        def idx_desc(kk, bb):
            o = wid * (NB_BLK * IBLK) + kk * IBLK
            return pltpu.make_async_copy(
                idx_hbm.at[pl.ds(o, IBLK)], idxvs[bb], sis[bb])

        def g_desc(bb):
            return pltpu.make_async_copy(
                scr_hbm.at[idxvs[bb]], rowss[bb], sgs[bb])

        def out_descs(kk, bb):
            o = wid * (NB_BLK * IBLK) + kk * IBLK
            h = o // B
            bt0 = (o % B) // 128
            ds = []
            for dt in range(4):
                for btl in range(4):
                    ds.append(pltpu.make_async_copy(
                        obufs[bb].at[pl.ds(dt * 8, 8),
                                     pl.ds(btl * 128, 128)],
                        out_hbm.at[h, dt, bt0 + btl], sos[bb]))
            return ds

        def format_block(rows, obuf):
            @plsc.parallel_loop(0, IBLK, unroll=8)
            def rloop(r):
                rb = jnp.full((16,), r, jnp.int32)
                xlo = rows[r, pl.ds(0, 16)]
                xhi = rows[r, pl.ds(16, 16)]
                plsc.store_scatter(obuf, [dlo, rb], xlo)
                plsc.store_scatter(obuf, [dhi, rb], xhi)

        idx_desc(0, 0).start()
        idx_desc(1, 1).start()

        def body(p, carry):
            for bb in range(2):
                kk = 2 * p + bb
                idx_desc(kk, bb).wait()

                @pl.when(p > 0)
                def _():
                    for dsc in out_descs(kk, bb):
                        dsc.wait()

                g_desc(bb).start()
            for bb in range(2):
                kk = 2 * p + bb
                g_desc(bb).wait()
                format_block(rowss[bb], obufs[bb])
                for dsc in out_descs(kk, bb):
                    dsc.start()

                @pl.when(kk + 2 < NB_BLK)
                def _():
                    idx_desc(kk + 2, bb).start()
            return carry

        lax.fori_loop(0, NB_BLK // 2, body, 0)
        for bb in range(2):
            for dsc in out_descs(NB_BLK - 2 + bb, bb):
                dsc.wait()

    return k(idx_t, scr2)


def kernel(x, emb_weight):
    tab_t = jnp.transpose(emb_weight)
    scr = _transpose_table(tab_t)
    idx_t = jnp.transpose(x).reshape(NIDX)
    out5 = _gather_format(idx_t, scr)
    return jnp.transpose(out5, (2, 4, 0, 1, 3)).reshape(B, H, D)

# --- scband reference (transcript-rebuilt; emitter-appended) ---
"""Pipeline reference for scband-embedding-61495341744292 (READ-ONLY COPY).

The authoritative reference and input builder live on the scoring server;
editing this copy changes nothing except your own understanding.
"""

import jax, jax.numpy as jnp
import numpy as np

VOCAB_SIZE = 1000000
EMB_DIM = 32
BATCH = 16384
HIST = 50

def setup_inputs(seed: int = 0) -> dict:
    key = jax.random.key(seed)
    k_idx, k_emb = jax.random.split(key)
    x = jax.random.randint(k_idx, (BATCH, HIST), 0, VOCAB_SIZE, dtype=jnp.int64 if jax.config.jax_enable_x64 else jnp.int32)
    # init_params: uniform_(-0.05, 0.05)
    emb_weight = jax.random.uniform(k_emb, (VOCAB_SIZE, EMB_DIM), dtype=jnp.float32, minval=-0.05, maxval=0.05)
    return {"x": x, "emb_weight": emb_weight}

def reference(x, emb_weight):
    # Embedding lookup: emb = self.emb(x)
    emb = jnp.take(emb_weight, x, axis=0)
    return emb

if __name__ == "__main__":
    import jax
    _d = setup_inputs()
    print(jax.jit(kernel)(*tuple(_d.values())))

</pallas_src>

<mosaic_0001>
#map = affine_map<(d0, d1) -> (0, 0)>
#map1 = affine_map<(d0, d1) -> (0)>
module attributes {stable_mosaic.version = 14 : i64} {
  func.func @k(%arg0: i32, %arg1: i32, %arg2: memref<32x1000000xf32, #tpu.memory_space<hbm>>, %arg3: memref<32000000xf32, #tpu.memory_space<hbm>>, %arg4: memref<32x512xf32, #tpu.memory_space<vmem>>, %arg5: memref<32x512xf32, #tpu.memory_space<vmem>>, %arg6: memref<16384xf32, #tpu.memory_space<vmem>>, %arg7: memref<16384xf32, #tpu.memory_space<vmem>>, %arg8: memref<32x64xf32, #tpu.memory_space<vmem>>, %arg9: memref<!tpu.dma_semaphore, #tpu.memory_space<semaphore_mem>>, %arg10: memref<!tpu.dma_semaphore, #tpu.memory_space<semaphore_mem>>, %arg11: memref<!tpu.dma_semaphore, #tpu.memory_space<semaphore_mem>>, %arg12: memref<!tpu.dma_semaphore, #tpu.memory_space<semaphore_mem>>) attributes {dimension_semantics = [#tpu.dimension_semantics<core_parallel>, #tpu.dimension_semantics<subcore_parallel>], iteration_bounds = array<i64: 2, 16>, scalar_prefetch = 0 : i64, scratch_operands = 9 : i64, tpu.core_type = #tpu.core_type<sc_vector_subcore>, window_params = [{transform_indices = #map}, {transform_indices = #map1}]} {
    %mul3A = arith.constant 2 : i32
    %mul3A_0 = arith.muli %arg1, %mul3A : i32
    %add3A = arith.addi %mul3A_0, %arg0 : i32
    %eq3A = arith.constant 31 : i32
    %eq3A_1 = arith.cmpi eq, %add3A, %eq3A : i32
    %jit3A = arith.constant 1 : i32
    %jit3A_2 = arith.constant 0 : i32
    %select_n3A = arith.select %eq3A_1, %jit3A, %jit3A_2 : i32
    %add3A_3 = arith.constant 61 : i32
    %add3A_4 = arith.addi %add3A_3, %select_n3A : i32
    %iota3A = tpu.iota {dimensions = array<i32: 0>} : vector<16xi32>
    %mul3A_5 = arith.constant 31232 : i32
    %mul3A_6 = arith.muli %add3A, %mul3A_5 : i32
    %add3A_7 = arith.constant 0 : i32
    %add3A_8 = arith.addi %mul3A_6, %add3A_7 : i32
    %dma_start3A = arith.constant 0 : i32
    %dma_start3A_9 = tpu.memref_slice %arg2[%dma_start3A, %add3A_8] : memref<32x1000000xf32, #tpu.memory_space<hbm>> -> memref<32x512xf32, #tpu.memory_space<hbm>>
    %dma_start3A_10 = arith.constant 0 : i32
    %dma_start3A_11 = tpu.memref_slice %arg2[%dma_start3A_10, %add3A_8] : memref<32x1000000xf32, #tpu.memory_space<hbm>> -> memref<32x512xf32, #tpu.memory_space<hbm>>
    tpu.enqueue_dma source(%dma_start3A_11 : memref<32x512xf32, #tpu.memory_space<hbm>>) target(%arg4 : memref<32x512xf32, #tpu.memory_space<vmem>>) target_semaphore(%arg9 : memref<!tpu.dma_semaphore, #tpu.memory_space<semaphore_mem>>)
    %mul3A_12 = arith.constant 31232 : i32
    %mul3A_13 = arith.muli %add3A, %mul3A_12 : i32
    %add3A_14 = arith.constant 512 : i32
    %add3A_15 = arith.addi %mul3A_13, %add3A_14 : i32
    %dma_start3A_16 = arith.constant 0 : i32
    %dma_start3A_17 = tpu.memref_slice %arg2[%dma_start3A_16, %add3A_15] : memref<32x1000000xf32, #tpu.memory_space<hbm>> -> memref<32x512xf32, #tpu.memory_space<hbm>>
    %dma_start3A_18 = arith.constant 0 : i32
    %dma_start3A_19 = tpu.memref_slice %arg2[%dma_start3A_18, %add3A_15] : memref<32x1000000xf32, #tpu.memory_space<hbm>> -> memref<32x512xf32, #tpu.memory_space<hbm>>
    tpu.enqueue_dma source(%dma_start3A_19 : memref<32x512xf32, #tpu.memory_space<hbm>>) target(%arg5 : memref<32x512xf32, #tpu.memory_space<vmem>>) target_semaphore(%arg10 : memref<!tpu.dma_semaphore, #tpu.memory_space<semaphore_mem>>)
    %scan3A = arith.constant 0 : i32
    %scan3A_20 = arith.constant 0 : i32
    %scan3A_21 = arith.constant 31 : i32
    %scan3A_22 = arith.addi %scan3A_20, %scan3A_21 : i32
    %scan3A_23 = arith.constant 1 : i32
    scf.for %scan3A_43 = %scan3A_20 to %scan3A_22 step %scan3A_23  : i32 {
      %mul3A_44 = arith.constant 2 : i32
      %mul3A_45 = arith.muli %mul3A_44, %scan3A_43 : i32
      %add3A_46 = arith.constant 0 : i32
      %add3A_47 = arith.addi %mul3A_45, %add3A_46 : i32
      %lt3A = arith.cmpi slt, %add3A_47, %add3A_4 : i32
      %convert_element_type3A_48 = arith.extui %lt3A : i1 to i32
      %cond3A_49 = arith.constant 0 : i32
      %cond3A_50 = arith.cmpi ne, %convert_element_type3A_48, %cond3A_49 : i32
      scf.if %cond3A_50 {
        %mul3A_59 = arith.constant 31232 : i32
        %mul3A_60 = arith.muli %add3A, %mul3A_59 : i32
        %mul3A_61 = arith.constant 512 : i32
        %mul3A_62 = arith.muli %add3A_47, %mul3A_61 : i32
        %add3A_63 = arith.addi %mul3A_60, %mul3A_62 : i32
        %dma_wait3A_64 = arith.constant 0 : i32
        %dma_wait3A_65 = tpu.memref_slice %arg2[%dma_wait3A_64, %add3A_63] : memref<32x1000000xf32, #tpu.memory_space<hbm>> -> memref<32x512xf32, #tpu.memory_space<hbm>>
        %dma_wait3A_66 = arith.constant 0 : i32
        %dma_wait3A_67 = tpu.memref_slice %arg2[%dma_wait3A_66, %add3A_63] : memref<32x1000000xf32, #tpu.memory_space<hbm>> -> memref<32x512xf32, #tpu.memory_space<hbm>>
        tpu.wait_dma2 semaphore(%arg9 : memref<!tpu.dma_semaphore, #tpu.memory_space<semaphore_mem>>) src(%dma_wait3A_67 : memref<32x512xf32, #tpu.memory_space<hbm>>) dst(%arg4 : memref<32x512xf32, #tpu.memory_space<vmem>>)
        %gt3A = arith.constant 0 : i32
        %gt3A_68 = arith.cmpi sgt, %scan3A_43, %gt3A : i32
        %convert_element_type3A_69 = arith.extui %gt3A_68 : i1 to i32
        %cond3A_70 = arith.constant 0 : i32
        %cond3A_71 = arith.cmpi ne, %convert_element_type3A_69, %cond3A_70 : i32
        scf.if %cond3A_71 {
          %mul3A_93 = arith.constant 31232 : i32
          %mul3A_94 = arith.muli %add3A, %mul3A_93 : i32
          %mul3A_95 = arith.constant 512 : i32
          %mul3A_96 = arith.muli %add3A_47, %mul3A_95 : i32
          %add3A_97 = arith.addi %mul3A_94, %mul3A_96 : i32
          %mul3A_98 = arith.constant 32 : i32
          %mul3A_99 = arith.muli %add3A_97, %mul3A_98 : i32
          %dma_wait3A_100 = tpu.memref_slice %arg3[%mul3A_99] : memref<32000000xf32, #tpu.memory_space<hbm>> -> memref<16384xf32, #tpu.memory_space<hbm>>
          %dma_wait3A_101 = tpu.memref_slice %arg3[%mul3A_99] : memref<32000000xf32, #tpu.memory_space<hbm>> -> memref<16384xf32, #tpu.memory_space<hbm>>
          tpu.wait_dma2 semaphore(%arg11 : memref<!tpu.dma_semaphore, #tpu.memory_space<semaphore_mem>>) src(%arg6 : memref<16384xf32, #tpu.memory_space<vmem>>) dst(%dma_wait3A_101 : memref<16384xf32, #tpu.memory_space<hbm>>)
        } else {
        }
        %scan3A_72 = arith.constant 0 : i32
        %scan3A_73 = arith.constant 0 : i32
        %scan3A_74 = arith.constant 32 : i32
        %scan3A_75 = arith.addi %scan3A_73, %scan3A_74 : i32
        %scan3A_76 = arith.constant 1 : i32
        scf.for %scan3A_93 = %scan3A_73 to %scan3A_75 step %scan3A_76  : i32 {
          %jit3A_94 = arith.constant 16 : i32
          %eq3A_95 = arith.constant 0 : i32
          %eq3A_96 = arith.cmpi eq, %jit3A_94, %eq3A_95 : i32
          %jit3A_97 = arith.constant 1 : i32
          %select_n3A_98 = arith.select %eq3A_96, %jit3A_97, %jit3A_94 : i32
          %rem3A = arith.remsi %scan3A_93, %select_n3A_98 : i32
          %ne3A = arith.constant 0 : i32
          %ne3A_99 = arith.cmpi ne, %rem3A, %ne3A : i32
          %lt3A_100 = arith.constant 0 : i32
          %lt3A_101 = arith.cmpi slt, %rem3A, %lt3A_100 : i32
          %lt3A_102 = arith.constant 0 : i32
          %lt3A_103 = arith.cmpi slt, %select_n3A_98, %lt3A_102 : i32
          %ne3A_104 = arith.xori %lt3A_101, %lt3A_103 : i1
          %and3A = arith.andi %ne3A_104, %ne3A_99 : i1
          %add3A_105 = arith.addi %rem3A, %select_n3A_98 : i32
          %select_n3A_106 = arith.select %and3A, %add3A_105, %rem3A : i32
          %add3A_107 = vector.broadcast %select_n3A_106 : i32 to vector<16xi32>
          %add3A_108 = arith.addi %iota3A, %add3A_107 : vector<16xi32>
          %rem3A_109 = arith.constant 16 : i32
          %rem3A_110 = vector.broadcast %rem3A_109 : i32 to vector<16xi32>
          %rem3A_111 = arith.remsi %add3A_108, %rem3A_110 : vector<16xi32>
          %jit3A_112 = arith.constant 16 : i32
          %div3A = arith.divsi %scan3A_93, %jit3A_112 : i32
          %sign3A = arith.constant 0 : i32
          %sign3A_113 = arith.cmpi sgt, %scan3A_93, %sign3A : i32
          %sign3A_114 = arith.extui %sign3A_113 : i1 to i32
          %sign3A_115 = arith.constant 0 : i32
          %sign3A_116 = arith.cmpi slt, %scan3A_93, %sign3A_115 : i32
          %sign3A_117 = arith.extui %sign3A_116 : i1 to i32
          %sign3A_118 = arith.subi %sign3A_114, %sign3A_117 : i32
          %sign3A_119 = arith.constant 0 : i32
          %sign3A_120 = arith.cmpi sgt, %jit3A_112, %sign3A_119 : i32
          %sign3A_121 = arith.extui %sign3A_120 : i1 to i32
          %sign3A_122 = arith.constant 0 : i32
          %sign3A_123 = arith.cmpi slt, %jit3A_112, %sign3A_122 : i32
          %sign3A_124 = arith.extui %sign3A_123 : i1 to i32
          %sign3A_125 = arith.subi %sign3A_121, %sign3A_124 : i32
          %ne3A_126 = arith.cmpi ne, %sign3A_118, %sign3A_125 : i32
          %rem3A_127 = arith.remsi %scan3A_93, %jit3A_112 : i32
          %ne3A_128 = arith.constant 0 : i32
          %ne3A_129 = arith.cmpi ne, %rem3A_127, %ne3A_128 : i32
          %and3A_130 = arith.andi %ne3A_126, %ne3A_129 : i1
          %sub3A = arith.constant 1 : i32
          %sub3A_131 = arith.subi %div3A, %sub3A : i32
          %select_n3A_132 = arith.select %and3A_130, %sub3A_131, %div3A : i32
          %mul3A_133 = arith.constant 16 : i32
          %mul3A_134 = arith.muli %select_n3A_132, %mul3A_133 : i32
          %add3A_135 = vector.broadcast %mul3A_134 : i32 to vector<16xi32>
          %add3A_136 = arith.addi %rem3A_111, %add3A_135 : vector<16xi32>
          %mul3A_137 = arith.constant 32 : i32
          %mul3A_138 = vector.broadcast %mul3A_137 : i32 to vector<16xi32>
          %mul3A_139 = arith.muli %iota3A, %mul3A_138 : vector<16xi32>
          %add3A_140 = arith.addi %mul3A_139, %add3A_136 : vector<16xi32>
          %parallel_loop3A = arith.constant 0 : i32
          %parallel_loop3A_141 = arith.constant 32 : i32
          %parallel_loop3A_142 = arith.constant 1 : i32
          scf.for %parallel_loop3A_143 = %parallel_loop3A to %parallel_loop3A_141 step %parallel_loop3A_142  : i32 {
            %parallel_loop3A_144 = arith.constant 16 : i32
            %parallel_loop3A_145 = arith.muli %parallel_loop3A_143, %parallel_loop3A_144 : i32
            %parallel_loop3A_146 = vector.broadcast %parallel_loop3A_145 : i32 to vector<16xi32>
            %parallel_loop3A_147 = arith.addi %iota3A, %parallel_loop3A_146 : vector<16xi32>
            %parallel_loop3A_148 = tpu.vector_load_idx %arg4[%add3A_136, %parallel_loop3A_147] : memref<32x512xf32, #tpu.memory_space<vmem>>[vector<16xi32>, vector<16xi32>], vector<16xf32>,
            %parallel_loop3A_149 = arith.constant 512 : i32
            %parallel_loop3A_150 = arith.muli %parallel_loop3A_143, %parallel_loop3A_149 : i32
            %parallel_loop3A_151 = vector.broadcast %parallel_loop3A_150 : i32 to vector<16xi32>
            %parallel_loop3A_152 = arith.addi %add3A_140, %parallel_loop3A_151 : vector<16xi32>
            tpu.vector_store_idx %arg6[%parallel_loop3A_152], %parallel_loop3A_148 : memref<16384xf32, #tpu.memory_space<vmem>>[vector<16xi32>], vector<16xf32>,
          } {sc.loop_unroll_factor = 8 : i64, sc.parallel_access}
        }
        %scan3A_77 = arith.constant 32 : i32
        %mul3A_78 = arith.constant 31232 : i32
        %mul3A_79 = arith.muli %add3A, %mul3A_78 : i32
        %mul3A_80 = arith.constant 512 : i32
        %mul3A_81 = arith.muli %add3A_47, %mul3A_80 : i32
        %add3A_82 = arith.addi %mul3A_79, %mul3A_81 : i32
        %mul3A_83 = arith.constant 32 : i32
        %mul3A_84 = arith.muli %add3A_82, %mul3A_83 : i32
        %dma_start3A_85 = tpu.memref_slice %arg3[%mul3A_84] : memref<32000000xf32, #tpu.memory_space<hbm>> -> memref<16384xf32, #tpu.memory_space<hbm>>
        %dma_start3A_86 = tpu.memref_slice %arg3[%mul3A_84] : memref<32000000xf32, #tpu.memory_space<hbm>> -> memref<16384xf32, #tpu.memory_space<hbm>>
        tpu.enqueue_dma source(%arg6 : memref<16384xf32, #tpu.memory_space<vmem>>) target(%dma_start3A_86 : memref<16384xf32, #tpu.memory_space<hbm>>) target_semaphore(%arg11 : memref<!tpu.dma_semaphore, #tpu.memory_space<semaphore_mem>>)
        %add3A_87 = arith.constant 2 : i32
        %add3A_88 = arith.addi %add3A_47, %add3A_87 : i32
        %lt3A_89 = arith.cmpi slt, %add3A_88, %add3A_4 : i32
        %convert_element_type3A_90 = arith.extui %lt3A_89 : i1 to i32
        %cond3A_91 = arith.constant 0 : i32
        %cond3A_92 = arith.cmpi ne, %convert_element_type3A_90, %cond3A_91 : i32
        scf.if %cond3A_92 {
          %add3A_93 = arith.constant 2 : i32
          %add3A_94 = arith.addi %add3A_47, %add3A_93 : i32
          %mul3A_95 = arith.constant 31232 : i32
          %mul3A_96 = arith.muli %add3A, %mul3A_95 : i32
          %mul3A_97 = arith.constant 512 : i32
          %mul3A_98 = arith.muli %add3A_94, %mul3A_97 : i32
          %add3A_99 = arith.addi %mul3A_96, %mul3A_98 : i32
          %dma_start3A_100 = arith.constant 0 : i32
          %dma_start3A_101 = tpu.memref_slice %arg2[%dma_start3A_100, %add3A_99] : memref<32x1000000xf32, #tpu.memory_space<hbm>> -> memref<32x512xf32, #tpu.memory_space<hbm>>
          %dma_start3A_102 = arith.constant 0 : i32
          %dma_start3A_103 = tpu.memref_slice %arg2[%dma_start3A_102, %add3A_99] : memref<32x1000000xf32, #tpu.memory_space<hbm>> -> memref<32x512xf32, #tpu.memory_space<hbm>>
          tpu.enqueue_dma source(%dma_start3A_103 : memref<32x512xf32, #tpu.memory_space<hbm>>) target(%arg4 : memref<32x512xf32, #tpu.memory_space<vmem>>) target_semaphore(%arg9 : memref<!tpu.dma_semaphore, #tpu.memory_space<semaphore_mem>>)
        } else {
        }
      } else {
      }
      %mul3A_51 = arith.constant 2 : i32
      %mul3A_52 = arith.muli %mul3A_51, %scan3A_43 : i32
      %add3A_53 = arith.constant 1 : i32
      %add3A_54 = arith.addi %mul3A_52, %add3A_53 : i32
      %lt3A_55 = arith.cmpi slt, %add3A_54, %add3A_4 : i32
      %convert_element_type3A_56 = arith.extui %lt3A_55 : i1 to i32
      %cond3A_57 = arith.constant 0 : i32
      %cond3A_58 = arith.cmpi ne, %convert_element_type3A_56, %cond3A_57 : i32
      scf.if %cond3A_58 {
        %mul3A_59 = arith.constant 31232 : i32
        %mul3A_60 = arith.muli %add3A, %mul3A_59 : i32
        %mul3A_61 = arith.constant 512 : i32
        %mul3A_62 = arith.muli %add3A_54, %mul3A_61 : i32
        %add3A_63 = arith.addi %mul3A_60, %mul3A_62 : i32
        %dma_wait3A_64 = arith.constant 0 : i32
        %dma_wait3A_65 = tpu.memref_slice %arg2[%dma_wait3A_64, %add3A_63] : memref<32x1000000xf32, #tpu.memory_space<hbm>> -> memref<32x512xf32, #tpu.memory_space<hbm>>
        %dma_wait3A_66 = arith.constant 0 : i32
        %dma_wait3A_67 = tpu.memref_slice %arg2[%dma_wait3A_66, %add3A_63] : memref<32x1000000xf32, #tpu.memory_space<hbm>> -> memref<32x512xf32, #tpu.memory_space<hbm>>
        tpu.wait_dma2 semaphore(%arg10 : memref<!tpu.dma_semaphore, #tpu.memory_space<semaphore_mem>>) src(%dma_wait3A_67 : memref<32x512xf32, #tpu.memory_space<hbm>>) dst(%arg5 : memref<32x512xf32, #tpu.memory_space<vmem>>)
        %gt3A = arith.constant 0 : i32
        %gt3A_68 = arith.cmpi sgt, %scan3A_43, %gt3A : i32
        %convert_element_type3A_69 = arith.extui %gt3A_68 : i1 to i32
        %cond3A_70 = arith.constant 0 : i32
        %cond3A_71 = arith.cmpi ne, %convert_element_type3A_69, %cond3A_70 : i32
        scf.if %cond3A_71 {
          %mul3A_93 = arith.constant 31232 : i32
          %mul3A_94 = arith.muli %add3A, %mul3A_93 : i32
          %mul3A_95 = arith.constant 512 : i32
          %mul3A_96 = arith.muli %add3A_54, %mul3A_95 : i32
          %add3A_97 = arith.addi %mul3A_94, %mul3A_96 : i32
          %mul3A_98 = arith.constant 32 : i32
          %mul3A_99 = arith.muli %add3A_97, %mul3A_98 : i32
          %dma_wait3A_100 = tpu.memref_slice %arg3[%mul3A_99] : memref<32000000xf32, #tpu.memory_space<hbm>> -> memref<16384xf32, #tpu.memory_space<hbm>>
          %dma_wait3A_101 = tpu.memref_slice %arg3[%mul3A_99] : memref<32000000xf32, #tpu.memory_space<hbm>> -> memref<16384xf32, #tpu.memory_space<hbm>>
          tpu.wait_dma2 semaphore(%arg12 : memref<!tpu.dma_semaphore, #tpu.memory_space<semaphore_mem>>) src(%arg7 : memref<16384xf32, #tpu.memory_space<vmem>>) dst(%dma_wait3A_101 : memref<16384xf32, #tpu.memory_space<hbm>>)
        } else {
        }
        %scan3A_72 = arith.constant 0 : i32
        %scan3A_73 = arith.constant 0 : i32
        %scan3A_74 = arith.constant 32 : i32
        %scan3A_75 = arith.addi %scan3A_73, %scan3A_74 : i32
        %scan3A_76 = arith.constant 1 : i32
        scf.for %scan3A_93 = %scan3A_73 to %scan3A_75 step %scan3A_76  : i32 {
          %jit3A_94 = arith.constant 16 : i32
          %eq3A_95 = arith.constant 0 : i32
          %eq3A_96 = arith.cmpi eq, %jit3A_94, %eq3A_95 : i32
          %jit3A_97 = arith.constant 1 : i32
          %select_n3A_98 = arith.select %eq3A_96, %jit3A_97, %jit3A_94 : i32
          %rem3A = arith.remsi %scan3A_93, %select_n3A_98 : i32
          %ne3A = arith.constant 0 : i32
          %ne3A_99 = arith.cmpi ne, %rem3A, %ne3A : i32
          %lt3A_100 = arith.constant 0 : i32
          %lt3A_101 = arith.cmpi slt, %rem3A, %lt3A_100 : i32
          %lt3A_102 = arith.constant 0 : i32
          %lt3A_103 = arith.cmpi slt, %select_n3A_98, %lt3A_102 : i32
          %ne3A_104 = arith.xori %lt3A_101, %lt3A_103 : i1
          %and3A = arith.andi %ne3A_104, %ne3A_99 : i1
          %add3A_105 = arith.addi %rem3A, %select_n3A_98 : i32
          %select_n3A_106 = arith.select %and3A, %add3A_105, %rem3A : i32
          %add3A_107 = vector.broadcast %select_n3A_106 : i32 to vector<16xi32>
          %add3A_108 = arith.addi %iota3A, %add3A_107 : vector<16xi32>
          %rem3A_109 = arith.constant 16 : i32
          %rem3A_110 = vector.broadcast %rem3A_109 : i32 to vector<16xi32>
          %rem3A_111 = arith.remsi %add3A_108, %rem3A_110 : vector<16xi32>
          %jit3A_112 = arith.constant 16 : i32
          %div3A = arith.divsi %scan3A_93, %jit3A_112 : i32
          %sign3A = arith.constant 0 : i32
          %sign3A_113 = arith.cmpi sgt, %scan3A_93, %sign3A : i32
          %sign3A_114 = arith.extui %sign3A_113 : i1 to i32
          %sign3A_115 = arith.constant 0 : i32
          %sign3A_116 = arith.cmpi slt, %scan3A_93, %sign3A_115 : i32
          %sign3A_117 = arith.extui %sign3A_116 : i1 to i32
          %sign3A_118 = arith.subi %sign3A_114, %sign3A_117 : i32
          %sign3A_119 = arith.constant 0 : i32
          %sign3A_120 = arith.cmpi sgt, %jit3A_112, %sign3A_119 : i32
          %sign3A_121 = arith.extui %sign3A_120 : i1 to i32
          %sign3A_122 = arith.constant 0 : i32
          %sign3A_123 = arith.cmpi slt, %jit3A_112, %sign3A_122 : i32
          %sign3A_124 = arith.extui %sign3A_123 : i1 to i32
          %sign3A_125 = arith.subi %sign3A_121, %sign3A_124 : i32
          %ne3A_126 = arith.cmpi ne, %sign3A_118, %sign3A_125 : i32
          %rem3A_127 = arith.remsi %scan3A_93, %jit3A_112 : i32
          %ne3A_128 = arith.constant 0 : i32
          %ne3A_129 = arith.cmpi ne, %rem3A_127, %ne3A_128 : i32
          %and3A_130 = arith.andi %ne3A_126, %ne3A_129 : i1
          %sub3A = arith.constant 1 : i32
          %sub3A_131 = arith.subi %div3A, %sub3A : i32
          %select_n3A_132 = arith.select %and3A_130, %sub3A_131, %div3A : i32
          %mul3A_133 = arith.constant 16 : i32
          %mul3A_134 = arith.muli %select_n3A_132, %mul3A_133 : i32
          %add3A_135 = vector.broadcast %mul3A_134 : i32 to vector<16xi32>
          %add3A_136 = arith.addi %rem3A_111, %add3A_135 : vector<16xi32>
          %mul3A_137 = arith.constant 32 : i32
          %mul3A_138 = vector.broadcast %mul3A_137 : i32 to vector<16xi32>
          %mul3A_139 = arith.muli %iota3A, %mul3A_138 : vector<16xi32>
          %add3A_140 = arith.addi %mul3A_139, %add3A_136 : vector<16xi32>
          %parallel_loop3A = arith.constant 0 : i32
          %parallel_loop3A_141 = arith.constant 32 : i32
          %parallel_loop3A_142 = arith.constant 1 : i32
          scf.for %parallel_loop3A_143 = %parallel_loop3A to %parallel_loop3A_141 step %parallel_loop3A_142  : i32 {
            %parallel_loop3A_144 = arith.constant 16 : i32
            %parallel_loop3A_145 = arith.muli %parallel_loop3A_143, %parallel_loop3A_144 : i32
            %parallel_loop3A_146 = vector.broadcast %parallel_loop3A_145 : i32 to vector<16xi32>
            %parallel_loop3A_147 = arith.addi %iota3A, %parallel_loop3A_146 : vector<16xi32>
            %parallel_loop3A_148 = tpu.vector_load_idx %arg5[%add3A_136, %parallel_loop3A_147] : memref<32x512xf32, #tpu.memory_space<vmem>>[vector<16xi32>, vector<16xi32>], vector<16xf32>,
            %parallel_loop3A_149 = arith.constant 512 : i32
            %parallel_loop3A_150 = arith.muli %parallel_loop3A_143, %parallel_loop3A_149 : i32
            %parallel_loop3A_151 = vector.broadcast %parallel_loop3A_150 : i32 to vector<16xi32>
            %parallel_loop3A_152 = arith.addi %add3A_140, %parallel_loop3A_151 : vector<16xi32>
            tpu.vector_store_idx %arg7[%parallel_loop3A_152], %parallel_loop3A_148 : memref<16384xf32, #tpu.memory_space<vmem>>[vector<16xi32>], vector<16xf32>,
          } {sc.loop_unroll_factor = 8 : i64, sc.parallel_access}
        }
        %scan3A_77 = arith.constant 32 : i32
        %mul3A_78 = arith.constant 31232 : i32
        %mul3A_79 = arith.muli %add3A, %mul3A_78 : i32
        %mul3A_80 = arith.constant 512 : i32
        %mul3A_81 = arith.muli %add3A_54, %mul3A_80 : i32
        %add3A_82 = arith.addi %mul3A_79, %mul3A_81 : i32
        %mul3A_83 = arith.constant 32 : i32
        %mul3A_84 = arith.muli %add3A_82, %mul3A_83 : i32
        %dma_start3A_85 = tpu.memref_slice %arg3[%mul3A_84] : memref<32000000xf32, #tpu.memory_space<hbm>> -> memref<16384xf32, #tpu.memory_space<hbm>>
        %dma_start3A_86 = tpu.memref_slice %arg3[%mul3A_84] : memref<32000000xf32, #tpu.memory_space<hbm>> -> memref<16384xf32, #tpu.memory_space<hbm>>
        tpu.enqueue_dma source(%arg7 : memref<16384xf32, #tpu.memory_space<vmem>>) target(%dma_start3A_86 : memref<16384xf32, #tpu.memory_space<hbm>>) target_semaphore(%arg12 : memref<!tpu.dma_semaphore, #tpu.memory_space<semaphore_mem>>)
        %add3A_87 = arith.constant 2 : i32
        %add3A_88 = arith.addi %add3A_54, %add3A_87 : i32
        %lt3A_89 = arith.cmpi slt, %add3A_88, %add3A_4 : i32
        %convert_element_type3A_90 = arith.extui %lt3A_89 : i1 to i32
        %cond3A_91 = arith.constant 0 : i32
        %cond3A_92 = arith.cmpi ne, %convert_element_type3A_90, %cond3A_91 : i32
        scf.if %cond3A_92 {
          %add3A_93 = arith.constant 2 : i32
          %add3A_94 = arith.addi %add3A_54, %add3A_93 : i32
          %mul3A_95 = arith.constant 31232 : i32
          %mul3A_96 = arith.muli %add3A, %mul3A_95 : i32
          %mul3A_97 = arith.constant 512 : i32
          %mul3A_98 = arith.muli %add3A_94, %mul3A_97 : i32
          %add3A_99 = arith.addi %mul3A_96, %mul3A_98 : i32
          %dma_start3A_100 = arith.constant 0 : i32
          %dma_start3A_101 = tpu.memref_slice %arg2[%dma_start3A_100, %add3A_99] : memref<32x1000000xf32, #tpu.memory_space<hbm>> -> memref<32x512xf32, #tpu.memory_space<hbm>>
          %dma_start3A_102 = arith.constant 0 : i32
          %dma_start3A_103 = tpu.memref_slice %arg2[%dma_start3A_102, %add3A_99] : memref<32x1000000xf32, #tpu.memory_space<hbm>> -> memref<32x512xf32, #tpu.memory_space<hbm>>
          tpu.enqueue_dma source(%dma_start3A_103 : memref<32x512xf32, #tpu.memory_space<hbm>>) target(%arg5 : memref<32x512xf32, #tpu.memory_space<vmem>>) target_semaphore(%arg10 : memref<!tpu.dma_semaphore, #tpu.memory_space<semaphore_mem>>)
        } else {
        }
      } else {
      }
    }
    %scan3A_24 = arith.constant 31 : i32
    %mul3A_25 = arith.constant 31232 : i32
    %mul3A_26 = arith.muli %add3A, %mul3A_25 : i32
    %add3A_27 = arith.constant 0 : i32
    %add3A_28 = arith.addi %mul3A_26, %add3A_27 : i32
    %mul3A_29 = arith.constant 32 : i32
    %mul3A_30 = arith.muli %add3A_28, %mul3A_29 : i32
    %dma_wait3A = tpu.memref_slice %arg3[%mul3A_30] : memref<32000000xf32, #tpu.memory_space<hbm>> -> memref<16384xf32, #tpu.memory_space<hbm>>
    %dma_wait3A_31 = tpu.memref_slice %arg3[%mul3A_30] : memref<32000000xf32, #tpu.memory_space<hbm>> -> memref<16384xf32, #tpu.memory_space<hbm>>
    tpu.wait_dma2 semaphore(%arg11 : memref<!tpu.dma_semaphore, #tpu.memory_space<semaphore_mem>>) src(%arg6 : memref<16384xf32, #tpu.memory_space<vmem>>) dst(%dma_wait3A_31 : memref<16384xf32, #tpu.memory_space<hbm>>)
    %mul3A_32 = arith.constant 31232 : i32
    %mul3A_33 = arith.muli %add3A, %mul3A_32 : i32
    %add3A_34 = arith.constant 0 : i32
    %add3A_35 = arith.addi %mul3A_33, %add3A_34 : i32
    %mul3A_36 = arith.constant 32 : i32
    %mul3A_37 = arith.muli %add3A_35, %mul3A_36 : i32
    %dma_wait3A_38 = tpu.memref_slice %arg3[%mul3A_37] : memref<32000000xf32, #tpu.memory_space<hbm>> -> memref<16384xf32, #tpu.memory_space<hbm>>
    %dma_wait3A_39 = tpu.memref_slice %arg3[%mul3A_37] : memref<32000000xf32, #tpu.memory_space<hbm>> -> memref<16384xf32, #tpu.memory_space<hbm>>
    tpu.wait_dma2 semaphore(%arg12 : memref<!tpu.dma_semaphore, #tpu.memory_space<semaphore_mem>>) src(%arg7 : memref<16384xf32, #tpu.memory_space<vmem>>) dst(%dma_wait3A_39 : memref<16384xf32, #tpu.memory_space<hbm>>)
    %eq3A_40 = arith.constant 31 : i32
    %eq3A_41 = arith.cmpi eq, %add3A, %eq3A_40 : i32
    %convert_element_type3A = arith.extui %eq3A_41 : i1 to i32
    %cond3A = arith.constant 0 : i32
    %cond3A_42 = arith.cmpi ne, %convert_element_type3A, %cond3A : i32
    scf.if %cond3A_42 {
      "tpu.region"() ({
        %run_scoped3A = tpu.sem_alloc : memref<!tpu.dma_semaphore, #tpu.memory_space<semaphore_mem>>
        %dma_start3A_49 = arith.constant 0 : i32
        %dma_start3A_50 = arith.constant 999936 : i32
        %dma_start3A_51 = tpu.memref_slice %arg2[%dma_start3A_49, %dma_start3A_50] : memref<32x1000000xf32, #tpu.memory_space<hbm>> -> memref<32x64xf32, #tpu.memory_space<hbm>>
        %dma_start3A_52 = arith.constant 0 : i32
        %dma_start3A_53 = arith.constant 999936 : i32
        %dma_start3A_54 = tpu.memref_slice %arg2[%dma_start3A_52, %dma_start3A_53] : memref<32x1000000xf32, #tpu.memory_space<hbm>> -> memref<32x64xf32, #tpu.memory_space<hbm>>
        tpu.enqueue_dma source(%dma_start3A_54 : memref<32x64xf32, #tpu.memory_space<hbm>>) target(%arg8 : memref<32x64xf32, #tpu.memory_space<vmem>>) target_semaphore(%run_scoped3A : memref<!tpu.dma_semaphore, #tpu.memory_space<semaphore_mem>>)
        %dma_wait3A_55 = arith.constant 0 : i32
        %dma_wait3A_56 = arith.constant 999936 : i32
        %dma_wait3A_57 = tpu.memref_slice %arg2[%dma_wait3A_55, %dma_wait3A_56] : memref<32x1000000xf32, #tpu.memory_space<hbm>> -> memref<32x64xf32, #tpu.memory_space<hbm>>
        %dma_wait3A_58 = arith.constant 0 : i32
        %dma_wait3A_59 = arith.constant 999936 : i32
        %dma_wait3A_60 = tpu.memref_slice %arg2[%dma_wait3A_58, %dma_wait3A_59] : memref<32x1000000xf32, #tpu.memory_space<hbm>> -> memref<32x64xf32, #tpu.memory_space<hbm>>
        tpu.wait_dma2 semaphore(%run_scoped3A : memref<!tpu.dma_semaphore, #tpu.memory_space<semaphore_mem>>) src(%dma_wait3A_60 : memref<32x64xf32, #tpu.memory_space<hbm>>) dst(%arg8 : memref<32x64xf32, #tpu.memory_space<vmem>>)
        tpu.yield
      }) : () -> ()
      %scan3A_43 = arith.constant 0 : i32
      %scan3A_44 = arith.constant 0 : i32
      %scan3A_45 = arith.constant 32 : i32
      %scan3A_46 = arith.addi %scan3A_44, %scan3A_45 : i32
      %scan3A_47 = arith.constant 1 : i32
      scf.for %scan3A_49 = %scan3A_44 to %scan3A_46 step %scan3A_47  : i32 {
        %jit3A_50 = arith.constant 16 : i32
        %eq3A_51 = arith.constant 0 : i32
        %eq3A_52 = arith.cmpi eq, %jit3A_50, %eq3A_51 : i32
        %jit3A_53 = arith.constant 1 : i32
        %select_n3A_54 = arith.select %eq3A_52, %jit3A_53, %jit3A_50 : i32
        %rem3A = arith.remsi %scan3A_49, %select_n3A_54 : i32
        %ne3A = arith.constant 0 : i32
        %ne3A_55 = arith.cmpi ne, %rem3A, %ne3A : i32
        %lt3A = arith.constant 0 : i32
        %lt3A_56 = arith.cmpi slt, %rem3A, %lt3A : i32
        %lt3A_57 = arith.constant 0 : i32
        %lt3A_58 = arith.cmpi slt, %select_n3A_54, %lt3A_57 : i32
        %ne3A_59 = arith.xori %lt3A_56, %lt3A_58 : i1
        %and3A = arith.andi %ne3A_59, %ne3A_55 : i1
        %add3A_60 = arith.addi %rem3A, %select_n3A_54 : i32
        %select_n3A_61 = arith.select %and3A, %add3A_60, %rem3A : i32
        %add3A_62 = vector.broadcast %select_n3A_61 : i32 to vector<16xi32>
        %add3A_63 = arith.addi %iota3A, %add3A_62 : vector<16xi32>
        %rem3A_64 = arith.constant 16 : i32
        %rem3A_65 = vector.broadcast %rem3A_64 : i32 to vector<16xi32>
        %rem3A_66 = arith.remsi %add3A_63, %rem3A_65 : vector<16xi32>
        %jit3A_67 = arith.constant 16 : i32
        %div3A = arith.divsi %scan3A_49, %jit3A_67 : i32
        %sign3A = arith.constant 0 : i32
        %sign3A_68 = arith.cmpi sgt, %scan3A_49, %sign3A : i32
        %sign3A_69 = arith.extui %sign3A_68 : i1 to i32
        %sign3A_70 = arith.constant 0 : i32
        %sign3A_71 = arith.cmpi slt, %scan3A_49, %sign3A_70 : i32
        %sign3A_72 = arith.extui %sign3A_71 : i1 to i32
        %sign3A_73 = arith.subi %sign3A_69, %sign3A_72 : i32
        %sign3A_74 = arith.constant 0 : i32
        %sign3A_75 = arith.cmpi sgt, %jit3A_67, %sign3A_74 : i32
        %sign3A_76 = arith.extui %sign3A_75 : i1 to i32
        %sign3A_77 = arith.constant 0 : i32
        %sign3A_78 = arith.cmpi slt, %jit3A_67, %sign3A_77 : i32
        %sign3A_79 = arith.extui %sign3A_78 : i1 to i32
        %sign3A_80 = arith.subi %sign3A_76, %sign3A_79 : i32
        %ne3A_81 = arith.cmpi ne, %sign3A_73, %sign3A_80 : i32
        %rem3A_82 = arith.remsi %scan3A_49, %jit3A_67 : i32
        %ne3A_83 = arith.constant 0 : i32
        %ne3A_84 = arith.cmpi ne, %rem3A_82, %ne3A_83 : i32
        %and3A_85 = arith.andi %ne3A_81, %ne3A_84 : i1
        %sub3A = arith.constant 1 : i32
        %sub3A_86 = arith.subi %div3A, %sub3A : i32
        %select_n3A_87 = arith.select %and3A_85, %sub3A_86, %div3A : i32
        %mul3A_88 = arith.constant 16 : i32
        %mul3A_89 = arith.muli %select_n3A_87, %mul3A_88 : i32
        %add3A_90 = vector.broadcast %mul3A_89 : i32 to vector<16xi32>
        %add3A_91 = arith.addi %rem3A_66, %add3A_90 : vector<16xi32>
        %mul3A_92 = arith.constant 32 : i32
        %mul3A_93 = vector.broadcast %mul3A_92 : i32 to vector<16xi32>
        %mul3A_94 = arith.muli %iota3A, %mul3A_93 : vector<16xi32>
        %add3A_95 = arith.addi %mul3A_94, %add3A_91 : vector<16xi32>
        %parallel_loop3A = arith.constant 0 : i32
        %parallel_loop3A_96 = arith.constant 4 : i32
        %parallel_loop3A_97 = arith.constant 1 : i32
        scf.for %parallel_loop3A_98 = %parallel_loop3A to %parallel_loop3A_96 step %parallel_loop3A_97  : i32 {
          %parallel_loop3A_99 = arith.constant 16 : i32
          %parallel_loop3A_100 = arith.muli %parallel_loop3A_98, %parallel_loop3A_99 : i32
          %parallel_loop3A_101 = vector.broadcast %parallel_loop3A_100 : i32 to vector<16xi32>
          %parallel_loop3A_102 = arith.addi %iota3A, %parallel_loop3A_101 : vector<16xi32>
          %parallel_loop3A_103 = tpu.vector_load_idx %arg8[%add3A_91, %parallel_loop3A_102] : memref<32x64xf32, #tpu.memory_space<vmem>>[vector<16xi32>, vector<16xi32>], vector<16xf32>,
          %parallel_loop3A_104 = arith.constant 512 : i32
          %parallel_loop3A_105 = arith.muli %parallel_loop3A_98, %parallel_loop3A_104 : i32
          %parallel_loop3A_106 = vector.broadcast %parallel_loop3A_105 : i32 to vector<16xi32>
          %parallel_loop3A_107 = arith.addi %add3A_95, %parallel_loop3A_106 : vector<16xi32>
          tpu.vector_store_idx %arg6[%parallel_loop3A_107], %parallel_loop3A_103 : memref<16384xf32, #tpu.memory_space<vmem>>[vector<16xi32>], vector<16xf32>,
        } {sc.loop_unroll_factor = 8 : i64, sc.parallel_access}
      }
      %scan3A_48 = arith.constant 32 : i32
      "tpu.region"() ({
        %run_scoped3A = tpu.sem_alloc : memref<!tpu.dma_semaphore, #tpu.memory_space<semaphore_mem>>
        %dma_start3A_49 = arith.constant 0 : i32
        %dma_start3A_50 = tpu.memref_slice %arg6[%dma_start3A_49] : memref<16384xf32, #tpu.memory_space<vmem>> -> memref<2048xf32, #tpu.memory_space<vmem>>
        %dma_start3A_51 = arith.constant 31997952 : i32
        %dma_start3A_52 = tpu.memref_slice %arg3[%dma_start3A_51] : memref<32000000xf32, #tpu.memory_space<hbm>> -> memref<2048xf32, #tpu.memory_space<hbm>>
        %dma_start3A_53 = arith.constant 31997952 : i32
        %dma_start3A_54 = tpu.memref_slice %arg3[%dma_start3A_53] : memref<32000000xf32, #tpu.memory_space<hbm>> -> memref<2048xf32, #tpu.memory_space<hbm>>
        %dma_start3A_55 = arith.constant 0 : i32
        %dma_start3A_56 = tpu.memref_slice %arg6[%dma_start3A_55] : memref<16384xf32, #tpu.memory_space<vmem>> -> memref<2048xf32, #tpu.memory_space<vmem>>
        tpu.enqueue_dma source(%dma_start3A_56 : memref<2048xf32, #tpu.memory_space<vmem>>) target(%dma_start3A_54 : memref<2048xf32, #tpu.memory_space<hbm>>) target_semaphore(%run_scoped3A : memref<!tpu.dma_semaphore, #tpu.memory_space<semaphore_mem>>)
        %dma_wait3A_57 = arith.constant 0 : i32
        %dma_wait3A_58 = tpu.memref_slice %arg6[%dma_wait3A_57] : memref<16384xf32, #tpu.memory_space<vmem>> -> memref<2048xf32, #tpu.memory_space<vmem>>
        %dma_wait3A_59 = arith.constant 31997952 : i32
        %dma_wait3A_60 = tpu.memref_slice %arg3[%dma_wait3A_59] : memref<32000000xf32, #tpu.memory_space<hbm>> -> memref<2048xf32, #tpu.memory_space<hbm>>
        %dma_wait3A_61 = arith.constant 31997952 : i32
        %dma_wait3A_62 = tpu.memref_slice %arg3[%dma_wait3A_61] : memref<32000000xf32, #tpu.memory_space<hbm>> -> memref<2048xf32, #tpu.memory_space<hbm>>
        %dma_wait3A_63 = arith.constant 0 : i32
        %dma_wait3A_64 = tpu.memref_slice %arg6[%dma_wait3A_63] : memref<16384xf32, #tpu.memory_space<vmem>> -> memref<2048xf32, #tpu.memory_space<vmem>>
        tpu.wait_dma2 semaphore(%run_scoped3A : memref<!tpu.dma_semaphore, #tpu.memory_space<semaphore_mem>>) src(%dma_wait3A_64 : memref<2048xf32, #tpu.memory_space<vmem>>) dst(%dma_wait3A_62 : memref<2048xf32, #tpu.memory_space<hbm>>)
        tpu.yield
      }) : () -> ()
    } else {
    }
    return
  }
}

</mosaic_0001>

<sc_bundles>
// kernel: _transpose_table.3.cloned.1.call-start
scs
__scs_entry_jumppad:
0x0: {  	(pc) =	sbr.rel $0x88, $3  }
0x1: {  	(tag) =	ssettag $0x0;
	lr =	simm.s32 $0x1  }
0x2: {  	[smem:$0x3FA0] =	sst lr;
	_ =	strace $0xD0000000  }
0x3: {  	_ = 	snop  }
0x4: {  	_ = 	snop  }
0x5: {  	_ = 	snop  }
0x6: {  	_ = 	snop  }
0x7: {  	_ = 	snop  }
__scs_overlays_trampoline_lowered:
0x8: {  	[smem:$0x3FAF] =	sst s0  }
0x9: {  	[smem:$0x3FB0] =	sst s1  }
0xa: {  	[smem:$0x3FB1] =	sst s2  }
0xb: {  	[smem:$0x3FB2] =	sst s3  }
0xc: {  	[smem:$0x3FB3] =	sst s4  }
0xd: {  	[smem:$0x3FB4] =	sst s5  }
0xe: {  	[smem:$0x3FB5] =	sst s6  }
0xf: {  	[smem:$0x3FB6] =	sst s7  }
0x10: {  	[smem:$0x3FB7] =	sst s8  }
0x11: {  	[smem:$0x3FB8] =	sst s9;
	s0 =	simm.s32 @!p0 $0x0  }
0x12: {  	s1 =	sld [smem:$0x3F9E];
	s0 =	simm.s32 @p0 $0x1  }
0x13: {  	[smem:$0x3FB9] =	sst s0;
	s0 =	simm.s32 @!p1 $0x0  }
0x14: {  	s2 =	sld [smem:$0x3F9D];
	s0 =	simm.s32 @p1 $0x1  }
0x15: {  	[smem:$0x3FBA] =	sst s0;
	s0 =	simm.s32 @!p2 $0x0  }
0x16: {  	s3 =	sld [smem:$0x3FDB];
	s0 =	simm.s32 @p2 $0x1  }
0x17: {  	s4 =	simm.s32 $0x1BF5;
	[smem:$0x3FBC] =	sst s0  }
0x18: {  	s0 =	sld [smem:$0x3F9F];
	_ =	swait.ge [sflag:s4], $0x0  }
0x19: {  	s7 =	sld [smem:$0x3FA0]  }
0x1a: {  	s8 =	sadd.s32 $0xFFFFE003, lr  }
0x1b: {  	s9 =	sadd.s32 $0xFFFFFEF7, lr;
	s5 =	simm.s32 $0xFFFFFFFF;
	p2 =	slt.u32 s8, $0xFFFFF086  }
0x1c: {  	p1 =	slt.u32 s9, $0xF7A;
	s5 =	simm.s32 @!p2 $0x0  }
0x1d: {  	s5 =	simm.s32 @p1 $0x1;
	p0 =	seq.s32 s7, s2  }
0x1e: {  	s7 =	smul.u32 @!p0 $0xF7A, s2;
	p2 =	seq.s32 @!p0 s5, $0x0  }
0x1f: {  	s9 =	smul.u32 $0xF7A, s1;
	s8 =	simm.s32 @!p0 $0x1BF5;
	p2 =	por !p2, p0  }
0x20: {  	[sflag:s8] =	ssyncset.s32 @!p0 $0xFFFFF086;
	s6 =	sadd.s32 @!p0 s3, s7;
	s7 =	simm.s32 @!p0 $0x108  }
0x21: {  	s3 =	sadd.s32 s3, s9;
	s6 =	sadd.s32 @!p0 $0x88, s6;
	s7 =	simm.s32 @p2 $0x1082  }
0x22: {  	[simem:s7], [sflag:s8] =	dma.local @!p0 [hbm:s6], $0xF7A  }
0x23: {  	s9 =	sor.u32 $0xD0000000, s2;
	s6 =	simm.s32 $0x108;
	_ =	swait.ge @!p0 [sflag:s8], $0x0  }
0x24: {  	s3 =	sadd.s32 $0x88, s3;
	s6 =	simm.s32 @!p1 $0x1082;
	[sflag:s4] =	ssyncset.s32 $0xFFFFF086  }
0x25: {  	[simem:s6], [sflag:s4] =	dma.local [hbm:s3], $0xF7A  }
0x26: {  	[smem:$0x3FA0] =	sst s1;
	(tag) =	ssettag s2;
	_ =	strace s9  }
0x27: {  	s1 =	sld [smem:$0x3FB0]  }
0x28: {  	s2 =	sld [smem:$0x3FB1]  }
0x29: {  	s4 =	sld [smem:$0x3FB3]  }
0x2a: {  	p0 =	seq.s32 s5, $0x0;
	s5 =	sld [smem:$0x3FB4]  }
0x2b: {  	s6 =	sld [smem:$0x3FB5]  }
0x2c: {  	s7 =	sld [smem:$0x3FB6]  }
0x2d: {  	s3 =	simm.s32 $0x108;
	s8 =	sld [smem:$0x3FB7]  }
0x2e: {  	s3 =	simm.s32 @!p0 $0x1082;
	s9 =	sld [smem:$0x3FB8]  }
0x2f: {  	lr =	sadd.s32 s0, s3;
	s0 =	sld [smem:$0x3FAF]  }
0x30: {  	s3 =	sld [smem:$0x3FB2]  }
0x31: {  	[smem:$0x3FBB] =	sst s10  }
0x32: {  	s10 =	sld [smem:$0x3FB9];
	_ =	sdelay $0x3  }
0x33: {  	p0 =	seq.s32 s10, $0x1;
	s10 =	sld [smem:$0x3FBB];
	_ =	sdelay $0x3  }
0x34: {  	[smem:$0x3FBB] =	sst s10  }
0x35: {  	s10 =	sld [smem:$0x3FBA];
	_ =	sdelay $0x3  }
0x36: {  	p1 =	seq.s32 s10, $0x1;
	s10 =	sld [smem:$0x3FBB];
	_ =	sdelay $0x3  }
0x37: {  	[smem:$0x3FBB] =	sst s10  }
0x38: {  	s10 =	sld [smem:$0x3FBC]  }
0x39: {  	_ = 	snop;
	(pc) =	sbr.ind lr, $3  }
0x3a: {  	_ = 	snop  }
0x3b: {  	_ = 	snop  }
0x3c: {  	p2 =	seq.s32 s10, $0x1;
	s10 =	sld [smem:$0x3FBB]  }
0x3d: {  	_ =	shalt  }
0x3e: {  	_ =	shalt  }
0x3f: {  	_ =	shalt  }
0x40: {  	_ =	shalt  }
0x41: {  	_ =	shalt  }
0x42: {  	_ =	shalt  }
0x43: {  	_ =	shalt  }
0x44: {  	_ =	shalt  }
0x45: {  	_ =	shalt  }
0x46: {  	_ =	shalt  }
0x47: {  	_ =	shalt  }
0x48: {  	_ =	shalt  }
0x49: {  	_ =	shalt  }
0x4a: {  	_ =	shalt  }
0x4b: {  	_ =	shalt  }
0x4c: {  	_ =	shalt  }
0x4d: {  	_ =	shalt  }
0x4e: {  	_ =	shalt  }
0x4f: {  	_ =	shalt  }
0x50: {  	_ =	shalt  }
0x51: {  	_ =	shalt  }
0x52: {  	_ =	shalt  }
0x53: {  	_ =	shalt  }
0x54: {  	_ =	shalt  }
0x55: {  	_ =	shalt  }
0x56: {  	_ =	shalt  }
0x57: {  	_ =	shalt  }
0x58: {  	_ =	shalt  }
0x59: {  	_ =	shalt  }
0x5a: {  	_ =	shalt  }
0x5b: {  	_ =	shalt  }
0x5c: {  	_ =	shalt  }
0x5d: {  	_ =	shalt  }
0x5e: {  	_ =	shalt  }
0x5f: {  	_ =	shalt  }
0x60: {  	_ =	shalt  }
0x61: {  	_ =	shalt  }
0x62: {  	_ =	shalt  }
0x63: {  	_ =	shalt  }
0x64: {  	_ =	shalt  }
0x65: {  	_ =	shalt  }
0x66: {  	_ =	shalt  }
0x67: {  	_ =	shalt  }
0x68: {  	_ =	shalt  }
0x69: {  	_ =	shalt  }
0x6a: {  	_ =	shalt  }
0x6b: {  	_ =	shalt  }
0x6c: {  	_ =	shalt  }
0x6d: {  	_ =	shalt  }
0x6e: {  	_ =	shalt  }
0x6f: {  	_ =	shalt  }
0x70: {  	_ =	shalt  }
0x71: {  	_ =	shalt  }
0x72: {  	_ =	shalt  }
0x73: {  	_ =	shalt  }
0x74: {  	_ =	shalt  }
0x75: {  	_ =	shalt  }
0x76: {  	_ =	shalt  }
0x77: {  	_ =	shalt  }
0x78: {  	_ =	shalt  }
0x79: {  	_ =	shalt  }
0x7a: {  	_ =	shalt  }
0x7b: {  	_ =	shalt  }
0x7c: {  	_ =	shalt  }
0x7d: {  	_ =	shalt  }
0x7e: {  	_ =	shalt  }
0x7f: {  	_ =	shalt  }
0x80: {  	_ =	shalt  }
0x81: {  	_ =	shalt  }
0x82: {  	_ =	shalt  }
0x83: {  	_ =	shalt  }
0x84: {  	_ =	shalt  }
0x85: {  	_ =	shalt  }
0x86: {  	_ =	shalt  }
0x87: {  	_ =	shalt  }
.Lfunc_end0:
.L_simem_size_0:
called_computation_lowered:
.L_overlay_start_0:
0x88: {  	s2 =	sld [smem:$0x3FD9]  }
0x89: {  	s3 =	sld [smem:$0x3FFE];
	_ =	sdelay $0x1  }
0x8a: {  	s1 =	srdreg.scid  }
0x8b: {  	s0 =	sand.u32 $0x1, s1  }
0x8c: {  	s18 =	sshll.u32 s0, $0xA;
	s2 =	sadd.s32 s3, s2  }
0x8d: {  	s2 =	sadd.s32 s2, s18  }
0x8e: {  	[smem:$0x3FC7] =	sst s2  }
0x8f: {  	_ = 	snop  }
0x90: {  	s2 =	sld [smem:$0x3FC9]  }
0x91: {  	s19 =	sld [smem:$0x3FD0];
	(tm) =	ssettm $0x1  }
0x92: {  	s4 =	sld [smem:$0x3FFB];
	_ =	sdelay $0x3  }
0x93: {  	_ =	strace s4  }
0x94: {  	s4 =	sld [smem:$0x3FFC];
	_ =	sdelay $0x3  }
0x95: {  	_ =	strace s4  }
0x96: {  	s4 =	sld [smem:$0x3FFD];
	_ =	sdelay $0x3  }
0x97: {  	_ =	strace s4  }
0x98: {  	_ =	strace $0x8FFFFFFF  }
0x99: {  	s20 =	sld [smem:$0x3FDB];
	_ =	sdelay $0x1  }
0x9a: {  	s5 =	simm.s32 $_scs_section_size  }
0x9b: {  	s6 =	simm.s32 $_size__tile_overlayer_lowered;
	s7 =	simm.s32 $_tile_overlayer_lowered  }
0x9c: {  	s23 =	simm.s32 $0x1BFF;
	s22 =	sshll.u32 s7, $0x1;
	s4 =	sadd.s32 s5, s20  }
0x9d: {  	s8 =	simm.s32 $0x0;
	s21 =	sshll.u32 s6, $0x1;
	s6 =	sadd.s32 s22, s4  }
0x9e: {  	[timem:s8], [sflag:s23] =	dma.local [hbm:s6], s21  }
0x9f: {  	_ =	swait.ge [sflag:s23], s21  }
0xa0: {  	s5 =	ssub.s32 $0x0, s21;
	[sflag:s23] =	ssyncset.done $0x0  }
0xa1: {  	[sflag:s23] =	ssyncadd.s32 s5;
	_ =	sdelay $0x1  }
0xa2: {  	s24 =	simm.s32 $0x1B8B  }
0xa3: {  	_ =	swait.ge [sflag:s24], $0x1  }
0xa4: {  	[sflag:s24] =	ssyncset.done $0x0  }
0xa5: {  	s25 =	simm.s32 $0x1B8E;
	[sflag:s24] =	ssyncadd.s32 $0xFFFFFFFF  }
0xa6: {  	s26 =	simm.s32 $execute0_lowered;
	[smem:$0x3FD2] =	sst s25  }
0xa7: {  	s5 =	sshll.u32 s26, $0x1;
	_ =	strace $0x80000046;
	[dreg:$0x1] =	wrdreg $0xFFFFFFFF  }
0xa8: {  	s28 =	simm.s32 $_size_execute0_lowered;
	s4 =	sadd.s32 s4, s5;
	[dreg:$0x0] =	wrdreg $0x0  }
0xa9: {  	s5 =	sshll.u32 s28, $0x1;
	[dreg:$0x2] =	wrdreg s4  }
0xaa: {  	[dreg:$0x3] =	wrdreg s5  }
0xab: {  	[dreg:$0x4] =	wrdreg $0xC0  }
0xac: {  	_ =	task [dreg:s8], $0x5FFFF  }
0xad: {  	[dreg:$0x1] =	wrdreg $0xFFFFFFFF  }
0xae: {  	[dreg:$0x0] =	wrdreg $0x60  }
0xaf: {  	[dreg:$0x2] =	wrdreg s2  }
0xb0: {  	[dreg:$0x3] =	wrdreg s19  }
0xb1: {  	[dreg:$0x4] =	wrdreg $0x9  }
0xb2: {  	_ =	task.clear_ibuf [dreg:s8], $0x5FFFF;
	_ =	strace $0x90000046  }
0xb3: {  	s29 =	simm.s32 $0x9;
	_ =	strace $0x80000048  }
0xb4: {  	_ =	swait.ge [sflag:s29], $0x1  }
0xb5: {  	[sflag:s29] =	ssyncadd.s32 $0xFFFFFFFF  }
0xb6: {  	_ =	strace $0x90000048  }
0xb7: {  	_ =	sfence  }
0xb8: {  	s30 =	sld [smem:$0x0];
	_ =	sdelay $0x2  }
0xb9: {  	s31 =	sshll.u32 s1, $0xD;
	s1 =	sshrl.u32 s1, $0x2  }
0xba: {  	s3 =	sand.u32 $0x4000, s31;
	s1 =	sadd.s32 s1, s30  }
0xbb: {  	s0 =	sor.u32 s3, s0;
	s1 =	sshll.u32 s1, $0x11  }
0xbc: {  	s0 =	sor.u32 s1, s0  }
0xbd: {  	s0 =	sadd.s32 $0x8F2B, s0  }
0xbe: {  	[sflag:s0] =	ssyncadd.remote.s32 $0x1  }
0xbf: {  	_ =	sfence.sel $0xFFFF  }
0xc0: {  	[dreg:$0x0] =	wrdreg $0xFFFFFFFF;
	(pc) =	sbr.abs _section_cstart, $3  }
0xc1: {  	[dreg:$0x1] =	wrdreg $0xFFFFFFFF  }
0xc2: {  	_ =	task.clear_ibuf [dreg:s8], $0x2FFFF;
	_ =	strace $0x9FFFFFFF  }
0xc3: {  	(tm) =	ssettm $0x7FFFFFFF  }
tec
execute0_lowered:
.L_overlay_start_1:
0x0: {  	(tag) =	ssettag $0x1  }
0x1: {  	s2 =	rddreg [dreg:$0x0];
	s0 =	srdreg.scid  }
0x2: {  	s1 =	stileid.u32;
	s3 =	rddreg [dreg:$0x1]  }
0x3: {  	s4 =	simm.s32 $0x0;
	s14 =	simm.s32 $0x7A1400;
	s15 =	simm.s32 $0x4000  }
0x4: {  	s16 =	simm.s32 $0x1;
	s17 =	simm.s32 $0x8000;
	s18 =	simm.s32 $0x2  }
0x5: {  	s19 =	simm.s32 $0xC000;
	s20 =	simm.s32 $0x3;
	s21 =	simm.s32 $0x4  }
0x6: {  	s23 =	simm.s32 $0x10000;
	s24 =	simm.s32 $0x5;
	s25 =	simm.s32 $0x0  }
0x7: {  	s0 =	sand.u32 $0x1, s0;
	s1 =	sshll.u32 s1, $0x1;
	[smem:$0x7FF] =	sst s4  }
0x8: {  	s30 =	sadd.s32 $0xF4200, s2;
	s31 =	sadd.s32 $0x3D0800, s3;
	s1 =	sor.u32 s0, s1  }
0x9: {  	_ =	strace $0x80000047;
	[dreg:$0x5] =	wrdreg s30;
	s5 =	smul.u32 $0x3D000, s1  }
0xa: {  	s0 =	ssub.s32 $0x2, s0;
	[dreg:$0x6] =	wrdreg s31;
	s7 =	smul.u32 $0x7A00, s1  }
.Ltmp0:
0xb: {  	v0 =	vlaneseq.u32;
	v9 =	vimm.s32 $0x0;
	vm0 =	vcmask $0x300;
	s6 =	sshrl.u32 s0, $0x1;
	p0 =	seq.s32 s1, $0x1F;
	(pc) =	sbr.rel .LBB2_1-.Ltmp0, $4  }
0xc: {  	v1 =	vmul.u32 $0x20, v0;
	v2 =	vor.u32 $0x10, v0;
	v3 =	vor.u32 $0x20, v0;
	s9 =	smul.u32 $0xF4000, s1;
	s0 =	ssub.s32 s0, s6;
	s8 =	sshrl.u32 s5, $0x3  }
0xd: {  	v4 =	vor.u32 $0x30, v0;
	v5 =	vor.u32 $0x40, v0;
	v6 =	vor.u32 $0x50, v0;
	s6 =	simm.s32 $0x3E;
	s7 =	sadd.s32 s2, s7;
	s8 =	sadd.s32 s2, s8  }
0xe: {  	v7 =	vor.u32 $0x60, v0;
	v8 =	vor.u32 $0x70, v0;
	v9 =	vsel vm0, $0xA, v9;
	s6 =	simm.s32 @!p0 $0x3D;
	[dreg:$0x3] =	wrdreg s7;
	s29 =	sadd.s32 $0x200, s8  }
0xf: {  	v10 =	vor.u32 $0x200, v1;
	v11 =	vor.u32 $0x400, v1;
	v12 =	vor.u32 $0x600, v1;
	s12 =	smax.u32 s0, $0x1;
	p0 =	sne.s32 s1, $0x1F;
	[dreg:$0x4] =	wrdreg s29  }
.LBB2_19:
0x10: {  	s25 =	sadd.s32 $0x1, s25  }
0x11: {  	p1 =	sne.s32 s25, s12  }
.Ltmp1:
0x12: {  	_ = 	snop;
	(pc) =	sbr.rel @!p1 .LBB2_20-.Ltmp1, $1  }
0x13: {  	_ =	sdelay $0x3  }
.LBB2_1:
.Ltmp2:
0x14: {  	(pc) =	sbr.rel .LBB2_2-.Ltmp2, $4  }
0x15: {  	s0 =	rddreg [dreg:$0x3];
	s1 =	simm.s32 $0x1000  }
0x16: {  	[tilespmem:s4], [sflag:$0x1] =	stream.strided.gather [hbm4b:s0+s1], $0x4000, s14, s1, $0x38;
	[tilespmem:$0x11000] =	vst v63  }
0x17: {  	s31 =	rddreg [dreg:$0x4];
	s26 =	simm.s32 $0x0  }
0x18: {  	[tilespmem:s15], [sflag:$0x2] =	stream.strided.gather [hbm4b:s31+s1], $0x4000, s14, s1, $0x38;
	[tilespmem:$0x11000] =	vst v63  }
.LBB2_14:
0x19: {  	s26 =	sadd.s32 $0x1, s26  }
0x1a: {  	p1 =	sne.s32 s26, $0x1F  }
.Ltmp3:
0x1b: {  	_ = 	snop;
	(pc) =	sbr.rel @!p1 .LBB2_15-.Ltmp3, $1  }
0x1c: {  	_ =	sdelay $0x3  }
.LBB2_2:
0x1d: {  	s28 =	sshll.u32 s26, $0x1  }
0x1e: {  	p2 =	sge.u32 s28, s6  }
.Ltmp4:
0x1f: {  	_ = 	snop;
	(pc) =	sbr.rel @p2 .LBB2_8-.Ltmp4, $2  }
0x20: {  	_ =	sdelay $0x2  }
0x21: {  	p1 =	seq.s32 s26, $0x0  }
0x22: {  	_ =	swait.ge [sflag:s16], $0x4000  }
0x23: {  	[sflag:s16] =	ssyncset.done $0x0  }
0x24: {  	s0 =	simm.s32 @!p1 $0x3;
	[sflag:s16] =	ssyncadd.s32 $0xFFFFC000  }
0x25: {  	_ =	swait.ge @!p1 [sflag:s0], $0x4000  }
0x26: {  	[sflag:s0] =	ssyncset.done @!p1 $0x0  }
0x27: {  	s29 =	simm.s32 $0x0;
	[sflag:s0] =	ssyncadd.s32 @!p1 $0xFFFFC000  }
.LBB2_4:
0x28: {  	s0 =	sand.u32 $0xF, s29;
	s7 =	simm.s32 $0x70  }
0x29: {  	s30 =	simm.s32 $0x10;
	s8 =	simm.s32 $0x20;
	s10 =	simm.s32 $0x30;
	v13 =	vadd.s32 s0, v0;
	v23 =	vmov s7  }
0x2a: {  	s11 =	simm.s32 $0x40;
	s13 =	simm.s32 $0x50;
	s22 =	simm.s32 $0x60;
	v25 =	vmov s30;
	v26 =	vmov s8;
	v27 =	vmov s10  }
0x2b: {  	v28 =	vmov s11;
	v29 =	vmov s13;
	v30 =	vmov s22  }
0x2c: {  	v14 =	vand.u32 $0xF, v13;
	v13 =	vshll.u32 v13, $0x7;
	v23 =	vshrl.u32 v23, $0x7  }
0x2d: {  	v25 =	vshrl.u32 v25, $0x7;
	v26 =	vshrl.u32 v26, $0x7;
	v27 =	vshrl.u32 v27, $0x7  }
0x2e: {  	s1 =	sand.u32 $0x10, s29;
	v28 =	vshrl.u32 v28, $0x7;
	v29 =	vshrl.u32 v29, $0x7;
	v30 =	vshrl.u32 v30, $0x7  }
0x2f: {  	v15 =	vor.u32 s1, v14;
	v16 =	vand.u32 $0x380, v13;
	s1 =	simm.s32 $0x0;
	v25 =	vshll.u32 v25, v9  }
0x30: {  	v26 =	vshll.u32 v26, v9;
	v27 =	vshll.u32 v27, v9;
	v24 =	vmov s1  }
0x31: {  	v28 =	vshll.u32 v28, v9;
	v29 =	vshll.u32 v29, v9;
	v24 =	vshrl.u32 v24, $0x7  }
0x32: {  	v30 =	vshll.u32 v30, v9;
	v23 =	vshll.u32 v23, v9;
	v24 =	vshll.u32 v24, v9  }
0x33: {  	v14 =	vshll.u32 v15, $0x9;
	v13 =	vor.u32 v1, v15;
	v24 =	vbroadcast v24, $0x0  }
0x34: {  	v15 =	vor.u32 v0, v16;
	v25 =	vbroadcast v25, $0x0;
	v26 =	vbroadcast v26, $0x0  }
0x35: {  	v27 =	vbroadcast v27, $0x0;
	v14 =	vand.u32 $0x3000, v14;
	v24 =	vor.u32 v24, v15  }
0x36: {  	s7 =	simm.s32 $0x0;
	s8 =	simm.s32 $0x200;
	v23 =	vbroadcast v23, $0x0;
	v22 =	vor.u32 v16, v14;
	v24 =	vor.u32 v14, v24  }
0x37: {  	v34 =	vor.u32 s7, v13;
	v32 =	vor.u32 s8, v13;
	v16 =	vor.u32 v2, v22  }
0x38: {  	v17 =	vor.u32 v3, v22;
	v18 =	vor.u32 v4, v22;
	v19 =	vor.u32 v5, v22  }
0x39: {  	v20 =	vor.u32 v6, v22;
	v21 =	vor.u32 v7, v22;
	v37 =	vadd.s32 v16, v25  }
0x3a: {  	v22 =	vor.u32 v8, v22;
	v25 =	vbroadcast v28, $0x0;
	v35 =	vadd.s32 v17, v26  }
0x3b: {  	s11 =	simm.s32 $0xC00;
	v28 =	vbroadcast v29, $0x0;
	v26 =	vbroadcast v30, $0x0;
	v36 =	vadd.s32 v18, v27;
	v33 =	vld.idx.msk [tilespmem:v24+s4+$0x0], $0xffff  }
0x3c: {  	s13 =	simm.s32 $0x400;
	v27 =	vadd.s32 v22, v23;
	v23 =	vor.u32 s11, v13;
	v30 =	vadd.s32 v19, v25  }
0x3d: {  	s30 =	simm.s32 $0x600;
	s22 =	simm.s32 $0x800;
	s10 =	simm.s32 $0xA00;
	v31 =	vadd.s32 v20, v28;
	v29 =	vadd.s32 v21, v26;
	v28 =	vor.u32 s13, v13  }
0x3e: {  	s31 =	simm.s32 $0x0;
	s1 =	simm.s32 $0xF0;
	v25 =	vor.u32 s30, v13;
	s30 =	simm.s32 $0xE00;
	v26 =	vor.u32 s22, v13;
	v37 =	vld.idx.msk [tilespmem:v37+s4+$0x0], $0xffff;
	v24 =	vor.u32 s10, v13  }
.LBB2_5:
0x3f: {  	s0 =	sadd.s32 $0xFFFFFF90, s1;
	s10 =	sadd.s32 $0xFFFFFFA0, s1;
	v38 =	vmov s1;
	s31 =	sadd.s32 $0x8, s31;
	v35 =	vld.idx.msk [tilespmem:v35+s4+$0x0], $0xffff;
	v39 =	vor.u32 s30, v13  }
0x40: {  	v40 =	vmov s0;
	v41 =	vmov s10;
	s0 =	sadd.s32 $0xFFFFFFB0, s1;
	s10 =	sadd.s32 $0xFFFFFFC0, s1;
	v38 =	vshrl.u32 v38, $0x7;
	p2 =	slt.u32 s31, $0x18;
	[tilespmem:v34+s17+$0x0] =	vst.idx.msk $0xffff, v33;
	v33 =	vld.idx.msk [tilespmem:v36+s4+$0x0], $0xffff  }
0x41: {  	s11 =	sadd.s32 $0xFFFFFFF0, s1;
	v34 =	vshrl.u32 v40, $0x7;
	v36 =	vmov s0;
	v40 =	vmov s10;
	s0 =	sadd.s32 $0xFFFFFFD0, s1;
	s10 =	sadd.s32 $0xFFFFFFE0, s1;
	v30 =	vld.idx.msk [tilespmem:v30+s4+$0x0], $0xffff  }
0x42: {  	v34 =	vshll.u32 v34, v9;
	v42 =	vmov s0;
	v43 =	vmov s10;
	v31 =	vld.idx.msk [tilespmem:v31+s4+$0x0], $0xffff  }
0x43: {  	v44 =	vmov s11;
	v41 =	vshrl.u32 v41, $0x7;
	v34 =	vbroadcast v34, $0x0;
	v29 =	vld.idx.msk [tilespmem:v29+s4+$0x0], $0xffff  }
0x44: {  	v36 =	vshrl.u32 v36, $0x7;
	v40 =	vshrl.u32 v40, $0x7;
	v42 =	vshrl.u32 v42, $0x7;
	[tilespmem:v32+s17+$0x0] =	vst.idx.msk $0xffff, v37;
	v27 =	vld.idx.msk [tilespmem:v27+s4+$0x0], $0xffff  }
0x45: {  	v37 =	vshrl.u32 v44, $0x7;
	v32 =	vor.u32 v34, v15;
	v34 =	vshrl.u32 v43, $0x7;
	[tilespmem:v28+s17+$0x0] =	vst.idx.msk $0xffff, v35  }
0x46: {  	v35 =	vshll.u32 v36, v9;
	v28 =	vor.u32 v14, v32;
	v32 =	vshll.u32 v41, v9  }
0x47: {  	v36 =	vshll.u32 v40, v9;
	v40 =	vshll.u32 v42, v9;
	v34 =	vshll.u32 v34, v9  }
0x48: {  	v38 =	vshll.u32 v38, v9;
	v37 =	vshll.u32 v37, v9;
	v32 =	vbroadcast v32, $0x0;
	[tilespmem:v25+s17+$0x0] =	vst.idx.msk $0xffff, v33  }
0x49: {  	s30 =	sadd.s32 $0x1000, s30;
	v36 =	vbroadcast v36, $0x0;
	v25 =	vbroadcast v35, $0x0;
	[tilespmem:v26+s17+$0x0] =	vst.idx.msk $0xffff, v30  }
0x4a: {  	s11 =	sadd.s32 $0xFFFFF600, s30;
	v26 =	vadd.s32 v16, v32;
	v30 =	vbroadcast v40, $0x0;
	v32 =	vbroadcast v34, $0x0;
	[tilespmem:v24+s17+$0x0] =	vst.idx.msk $0xffff, v31  }
.Ltmp5:
0x4b: {  	s0 =	sadd.s32 $0xFFFFF200, s30;
	s10 =	sadd.s32 $0xFFFFF400, s30;
	v35 =	vadd.s32 v17, v25;
	v24 =	vbroadcast v37, $0x0;
	v25 =	vbroadcast v38, $0x0;
	v33 =	vld.idx.msk [tilespmem:v28+s4+$0x0], $0xffff;
	[tilespmem:v23+s17+$0x0] =	vst.idx.msk $0xffff, v29;
	(pc) =	sbr.rel @p2 .LBB2_5-.Ltmp5, $4  }
0x4c: {  	s22 =	sadd.s32 $0xFFFFFA00, s30;
	s13 =	sadd.s32 $0xFFFFFC00, s30;
	v36 =	vadd.s32 v18, v36;
	v34 =	vor.u32 s0, v13;
	s0 =	sadd.s32 $0xFFFFF800, s30;
	v30 =	vadd.s32 v19, v30;
	[tilespmem:v39+s17+$0x0] =	vst.idx.msk $0xffff, v27  }
0x4d: {  	s7 =	sadd.s32 $0xFFFFFE00, s30;
	v31 =	vadd.s32 v20, v32;
	v29 =	vadd.s32 v21, v24;
	v27 =	vadd.s32 v22, v25  }
0x4e: {  	v32 =	vor.u32 s10, v13;
	v28 =	vor.u32 s11, v13;
	v25 =	vor.u32 s0, v13  }
0x4f: {  	s1 =	sadd.s32 $0x80, s1;
	v23 =	vor.u32 s7, v13;
	v24 =	vor.u32 s13, v13;
	v37 =	vld.idx.msk [tilespmem:v26+s4+$0x0], $0xffff;
	v26 =	vor.u32 s22, v13  }
0x50: {  	_ =	sdelay $0x3  }
0x51: {  	v14 =	vld.idx.msk [tilespmem:v35+s4+$0x0], $0xffff  }
0x52: {  	v15 =	vld.idx.msk [tilespmem:v36+s4+$0x0], $0xffff  }
0x53: {  	v16 =	vld.idx.msk [tilespmem:v30+s4+$0x0], $0xffff  }
0x54: {  	[tilespmem:v34+s17+$0x0] =	vst.idx.msk $0xffff, v33;
	v17 =	vld.idx.msk [tilespmem:v31+s4+$0x0], $0xffff  }
0x55: {  	v18 =	vld.idx.msk [tilespmem:v29+s4+$0x0], $0xffff;
	s29 =	sadd.s32 $0x1, s29;
	[tilespmem:v32+s17+$0x0] =	vst.idx.msk $0xffff, v37  }
0x56: {  	v13 =	vor.u32 s30, v13;
	v19 =	vld.idx.msk [tilespmem:v27+s4+$0x0], $0xffff;
	p2 =	sne.s32 s29, $0x20;
	[tilespmem:v28+s17+$0x0] =	vst.idx.msk $0xffff, v14  }
.Ltmp6:
0x57: {  	[tilespmem:v25+s17+$0x0] =	vst.idx.msk $0xffff, v15;
	(pc) =	sbr.rel @p2 .LBB2_4-.Ltmp6, $4  }
0x58: {  	[tilespmem:v26+s17+$0x0] =	vst.idx.msk $0xffff, v16  }
0x59: {  	[tilespmem:v24+s17+$0x0] =	vst.idx.msk $0xffff, v17  }
0x5a: {  	[tilespmem:v23+s17+$0x0] =	vst.idx.msk $0xffff, v18  }
0x5b: {  	[tilespmem:v13+s17+$0x0] =	vst.idx.msk $0xffff, v19  }
0x5c: {  	s0 =	sshll.u32 s26, $0xF  }
0x5d: {  	s0 =	sadd.s32 s9, s0  }
0x5e: {  	s0 =	sshrl.u32 s0, $0x3  }
0x5f: {  	s0 =	sadd.s32 s3, s0  }
0x60: {  	[hbm4b:s0+s4] =	stream.linear.scatter [tilespmem:s17], [sflag:$0x3], $0x4000, $0x38;
	[tilespmem:$0x11000] =	vst v63  }
0x61: {  	s0 =	sadd.s32 $0x2, s28  }
0x62: {  	p2 =	sge.u32 s0, s6  }
0x63: {  	s0 =	sshll.u32 @!p2 s0, $0xC  }
0x64: {  	s0 =	sadd.s32 @!p2 s5, s0  }
0x65: {  	s1 =	simm.s32 @!p2 $0x1000;
	s0 =	sshrl.u32 @!p2 s0, $0x3  }
0x66: {  	s7 =	simm.s32 @!p2 $0x7A1400;
	s10 =	simm.s32 @!p2 $0x0;
	s0 =	sadd.s32 @!p2 s2, s0  }
0x67: {  	[tilespmem:s10], [sflag:$0x1] =	stream.strided.gather @!p2 [hbm4b:s0+s1], $0x4000, s7, s1, $0x38;
	[tilespmem:$0x11000] =	vst v63  }
.LBB2_8:
0x68: {  	s29 =	sor.u32 $0x1, s28  }
0x69: {  	p2 =	sge.u32 s29, s6  }
.Ltmp7:
0x6a: {  	_ = 	snop;
	(pc) =	sbr.rel @p2 .LBB2_14-.Ltmp7, $1  }
0x6b: {  	_ =	sdelay $0x3  }
0x6c: {  	_ =	swait.ge [sflag:s18], $0x4000  }
0x6d: {  	[sflag:s18] =	ssyncset.done $0x0  }
0x6e: {  	s0 =	simm.s32 @!p1 $0x4;
	[sflag:s18] =	ssyncadd.s32 $0xFFFFC000  }
0x6f: {  	_ =	swait.ge @!p1 [sflag:s0], $0x4000  }
0x70: {  	[sflag:s0] =	ssyncset.done @!p1 $0x0  }
0x71: {  	s30 =	simm.s32 $0x0;
	[sflag:s0] =	ssyncadd.s32 @!p1 $0xFFFFC000  }
.LBB2_10:
0x72: {  	s0 =	sand.u32 $0xF, s30;
	s22 =	simm.s32 $0x70  }
0x73: {  	s1 =	simm.s32 $0x0;
	s7 =	simm.s32 $0x10;
	s8 =	simm.s32 $0x20;
	v13 =	vadd.s32 s0, v0;
	v23 =	vmov s22  }
0x74: {  	s10 =	simm.s32 $0x30;
	s11 =	simm.s32 $0x40;
	v24 =	vmov s1;
	v25 =	vmov s7;
	v26 =	vmov s8  }
0x75: {  	v27 =	vmov s10;
	v28 =	vmov s11;
	v14 =	vand.u32 $0xF, v13  }
0x76: {  	s22 =	simm.s32 $0x60;
	v13 =	vshll.u32 v13, $0x7;
	v23 =	vshrl.u32 v23, $0x7;
	v24 =	vshrl.u32 v24, $0x7  }
0x77: {  	s13 =	sand.u32 $0x10, s30;
	v25 =	vshrl.u32 v25, $0x7;
	v30 =	vmov s22;
	v26 =	vshrl.u32 v26, $0x7  }
0x78: {  	v27 =	vshrl.u32 v27, $0x7;
	v28 =	vshrl.u32 v28, $0x7;
	v15 =	vor.u32 s13, v14  }
0x79: {  	v16 =	vand.u32 $0x380, v13;
	v24 =	vshll.u32 v24, v9;
	v30 =	vshrl.u32 v30, $0x7  }
0x7a: {  	v25 =	vshll.u32 v25, v9;
	v26 =	vshll.u32 v26, v9;
	v27 =	vshll.u32 v27, v9  }
0x7b: {  	v28 =	vshll.u32 v28, v9;
	v23 =	vshll.u32 v23, v9;
	v14 =	vshll.u32 v15, $0x9  }
0x7c: {  	s13 =	simm.s32 $0x50;
	v13 =	vor.u32 v1, v15;
	v15 =	vor.u32 v0, v16;
	v24 =	vbroadcast v24, $0x0  }
0x7d: {  	v29 =	vmov s13;
	v25 =	vbroadcast v25, $0x0;
	v26 =	vbroadcast v26, $0x0  }
0x7e: {  	v30 =	vshll.u32 v30, v9;
	v27 =	vbroadcast v27, $0x0;
	v23 =	vbroadcast v23, $0x0  }
0x7f: {  	s1 =	simm.s32 $0x0;
	v14 =	vand.u32 $0x3000, v14;
	v29 =	vshrl.u32 v29, $0x7;
	v24 =	vor.u32 v24, v15  }
0x80: {  	s7 =	simm.s32 $0x200;
	v34 =	vor.u32 s1, v13;
	v22 =	vor.u32 v16, v14;
	v24 =	vor.u32 v14, v24  }
0x81: {  	v32 =	vor.u32 s7, v13;
	v29 =	vshll.u32 v29, v9;
	v16 =	vor.u32 v2, v22  }
0x82: {  	v17 =	vor.u32 v3, v22;
	v18 =	vor.u32 v4, v22;
	v19 =	vor.u32 v5, v22  }
0x83: {  	v20 =	vor.u32 v6, v22;
	v21 =	vor.u32 v7, v22;
	v37 =	vadd.s32 v16, v25  }
0x84: {  	v22 =	vor.u32 v8, v22;
	v25 =	vbroadcast v28, $0x0;
	v35 =	vadd.s32 v17, v26  }
0x85: {  	s13 =	simm.s32 $0xC00;
	v28 =	vbroadcast v29, $0x0;
	v26 =	vbroadcast v30, $0x0;
	v36 =	vadd.s32 v18, v27;
	v33 =	vld.idx.msk [tilespmem:v24+s15+$0x0], $0xffff  }
0x86: {  	s8 =	simm.s32 $0x400;
	v27 =	vadd.s32 v22, v23;
	v23 =	vor.u32 s13, v13;
	v30 =	vadd.s32 v19, v25  }
0x87: {  	s10 =	simm.s32 $0x800;
	s11 =	simm.s32 $0xA00;
	s22 =	simm.s32 $0x600;
	v31 =	vadd.s32 v20, v28;
	v29 =	vadd.s32 v21, v26;
	v28 =	vor.u32 s8, v13  }
0x88: {  	s31 =	simm.s32 $0xE00;
	s0 =	simm.s32 $0xF0;
	s1 =	simm.s32 $0x0;
	v25 =	vor.u32 s22, v13;
	v26 =	vor.u32 s10, v13;
	v24 =	vor.u32 s11, v13;
	v37 =	vld.idx.msk [tilespmem:v37+s15+$0x0], $0xffff  }
.LBB2_11:
0x89: {  	s7 =	sadd.s32 $0xFFFFFF90, s0;
	s10 =	sadd.s32 $0xFFFFFFA0, s0;
	v38 =	vmov s0;
	s1 =	sadd.s32 $0x8, s1;
	v35 =	vld.idx.msk [tilespmem:v35+s15+$0x0], $0xffff;
	v39 =	vor.u32 s31, v13  }
0x8a: {  	v40 =	vmov s7;
	v41 =	vmov s10;
	s7 =	sadd.s32 $0xFFFFFFB0, s0;
	s10 =	sadd.s32 $0xFFFFFFC0, s0;
	v38 =	vshrl.u32 v38, $0x7;
	p1 =	slt.u32 s1, $0x18;
	[tilespmem:v34+s19+$0x0] =	vst.idx.msk $0xffff, v33;
	v33 =	vld.idx.msk [tilespmem:v36+s15+$0x0], $0xffff  }
0x8b: {  	s11 =	sadd.s32 $0xFFFFFFF0, s0;
	v34 =	vshrl.u32 v40, $0x7;
	v36 =	vmov s7;
	v40 =	vmov s10;
	s7 =	sadd.s32 $0xFFFFFFD0, s0;
	s10 =	sadd.s32 $0xFFFFFFE0, s0;
	v30 =	vld.idx.msk [tilespmem:v30+s15+$0x0], $0xffff  }
0x8c: {  	v34 =	vshll.u32 v34, v9;
	v42 =	vmov s7;
	v43 =	vmov s10;
	v31 =	vld.idx.msk [tilespmem:v31+s15+$0x0], $0xffff  }
0x8d: {  	v44 =	vmov s11;
	v41 =	vshrl.u32 v41, $0x7;
	v34 =	vbroadcast v34, $0x0;
	v29 =	vld.idx.msk [tilespmem:v29+s15+$0x0], $0xffff  }
0x8e: {  	v36 =	vshrl.u32 v36, $0x7;
	v40 =	vshrl.u32 v40, $0x7;
	v42 =	vshrl.u32 v42, $0x7;
	[tilespmem:v32+s19+$0x0] =	vst.idx.msk $0xffff, v37;
	v27 =	vld.idx.msk [tilespmem:v27+s15+$0x0], $0xffff  }
0x8f: {  	v37 =	vshrl.u32 v44, $0x7;
	v32 =	vor.u32 v34, v15;
	v34 =	vshrl.u32 v43, $0x7;
	[tilespmem:v28+s19+$0x0] =	vst.idx.msk $0xffff, v35  }
0x90: {  	v35 =	vshll.u32 v36, v9;
	v28 =	vor.u32 v14, v32;
	v32 =	vshll.u32 v41, v9  }
0x91: {  	v36 =	vshll.u32 v40, v9;
	v40 =	vshll.u32 v42, v9;
	v34 =	vshll.u32 v34, v9  }
0x92: {  	v38 =	vshll.u32 v38, v9;
	v37 =	vshll.u32 v37, v9;
	v32 =	vbroadcast v32, $0x0;
	[tilespmem:v25+s19+$0x0] =	vst.idx.msk $0xffff, v33  }
0x93: {  	s31 =	sadd.s32 $0x1000, s31;
	v36 =	vbroadcast v36, $0x0;
	v25 =	vbroadcast v35, $0x0;
	[tilespmem:v26+s19+$0x0] =	vst.idx.msk $0xffff, v30  }
0x94: {  	s11 =	sadd.s32 $0xFFFFF600, s31;
	v26 =	vadd.s32 v16, v32;
	v30 =	vbroadcast v40, $0x0;
	v32 =	vbroadcast v34, $0x0;
	[tilespmem:v24+s19+$0x0] =	vst.idx.msk $0xffff, v31  }
.Ltmp8:
0x95: {  	s7 =	sadd.s32 $0xFFFFF200, s31;
	s10 =	sadd.s32 $0xFFFFF400, s31;
	v35 =	vadd.s32 v17, v25;
	v24 =	vbroadcast v37, $0x0;
	v25 =	vbroadcast v38, $0x0;
	v33 =	vld.idx.msk [tilespmem:v28+s15+$0x0], $0xffff;
	[tilespmem:v23+s19+$0x0] =	vst.idx.msk $0xffff, v29;
	(pc) =	sbr.rel @p1 .LBB2_11-.Ltmp8, $4  }
0x96: {  	s13 =	sadd.s32 $0xFFFFFA00, s31;
	s22 =	sadd.s32 $0xFFFFFC00, s31;
	v36 =	vadd.s32 v18, v36;
	v34 =	vor.u32 s7, v13;
	s7 =	sadd.s32 $0xFFFFF800, s31;
	v30 =	vadd.s32 v19, v30;
	[tilespmem:v39+s19+$0x0] =	vst.idx.msk $0xffff, v27  }
0x97: {  	s8 =	sadd.s32 $0xFFFFFE00, s31;
	v31 =	vadd.s32 v20, v32;
	v29 =	vadd.s32 v21, v24;
	v27 =	vadd.s32 v22, v25  }
0x98: {  	v32 =	vor.u32 s10, v13;
	v28 =	vor.u32 s11, v13;
	v25 =	vor.u32 s7, v13  }
0x99: {  	s0 =	sadd.s32 $0x80, s0;
	v23 =	vor.u32 s8, v13;
	v24 =	vor.u32 s22, v13;
	v37 =	vld.idx.msk [tilespmem:v26+s15+$0x0], $0xffff;
	v26 =	vor.u32 s13, v13  }
0x9a: {  	_ =	sdelay $0x3  }
0x9b: {  	v14 =	vld.idx.msk [tilespmem:v35+s15+$0x0], $0xffff  }
0x9c: {  	v15 =	vld.idx.msk [tilespmem:v36+s15+$0x0], $0xffff  }
0x9d: {  	v16 =	vld.idx.msk [tilespmem:v30+s15+$0x0], $0xffff  }
0x9e: {  	[tilespmem:v34+s19+$0x0] =	vst.idx.msk $0xffff, v33;
	v17 =	vld.idx.msk [tilespmem:v31+s15+$0x0], $0xffff  }
0x9f: {  	v18 =	vld.idx.msk [tilespmem:v29+s15+$0x0], $0xffff;
	s30 =	sadd.s32 $0x1, s30;
	[tilespmem:v32+s19+$0x0] =	vst.idx.msk $0xffff, v37  }
0xa0: {  	v13 =	vor.u32 s31, v13;
	v19 =	vld.idx.msk [tilespmem:v27+s15+$0x0], $0xffff;
	p1 =	sne.s32 s30, $0x20;
	[tilespmem:v28+s19+$0x0] =	vst.idx.msk $0xffff, v14  }
.Ltmp9:
0xa1: {  	[tilespmem:v25+s19+$0x0] =	vst.idx.msk $0xffff, v15;
	(pc) =	sbr.rel @p1 .LBB2_10-.Ltmp9, $4  }
0xa2: {  	[tilespmem:v26+s19+$0x0] =	vst.idx.msk $0xffff, v16  }
0xa3: {  	[tilespmem:v24+s19+$0x0] =	vst.idx.msk $0xffff, v17  }
0xa4: {  	[tilespmem:v23+s19+$0x0] =	vst.idx.msk $0xffff, v18  }
0xa5: {  	[tilespmem:v13+s19+$0x0] =	vst.idx.msk $0xffff, v19  }
0xa6: {  	s0 =	sshll.u32 s29, $0xE  }
0xa7: {  	s0 =	sadd.s32 s9, s0  }
0xa8: {  	s0 =	sshrl.u32 s0, $0x3  }
0xa9: {  	s0 =	sadd.s32 s3, s0  }
0xaa: {  	[hbm4b:s0+s4] =	stream.linear.scatter [tilespmem:s19], [sflag:$0x4], $0x4000, $0x38;
	[tilespmem:$0x11000] =	vst v63  }
0xab: {  	s0 =	sadd.s32 $0x3, s28  }
0xac: {  	p1 =	sge.u32 s0, s6  }
.Ltmp10:
0xad: {  	s0 =	sshll.u32 @!p1 s0, $0xC;
	(pc) =	sbr.rel .LBB2_14-.Ltmp10, $4  }
0xae: {  	s0 =	sadd.s32 @!p1 s5, s0  }
0xaf: {  	s1 =	simm.s32 @!p1 $0x1000;
	s0 =	sshrl.u32 @!p1 s0, $0x3  }
0xb0: {  	s7 =	simm.s32 @!p1 $0x7A1400;
	s8 =	simm.s32 @!p1 $0x4000;
	s0 =	sadd.s32 @!p1 s2, s0  }
0xb1: {  	[tilespmem:s8], [sflag:$0x2] =	stream.strided.gather @!p1 [hbm4b:s0+s1], $0x4000, s7, s1, $0x38;
	[tilespmem:$0x11000] =	vst v63  }
.LBB2_15:
0xb2: {  	_ =	swait.ge [sflag:s20], $0x4000  }
.Ltmp11:
0xb3: {  	[sflag:s20] =	ssyncset.done $0x0;
	(pc) =	sbr.rel @p0 .LBB2_19-.Ltmp11, $4  }
0xb4: {  	[sflag:s20] =	ssyncadd.s32 $0xFFFFC000  }
0xb5: {  	_ =	swait.ge [sflag:s21], $0x4000  }
0xb6: {  	[sflag:s21] =	ssyncset.done $0x0  }
0xb7: {  	[sflag:s21] =	ssyncadd.s32 $0xFFFFC000  }
0xb8: {  	s0 =	simm.s32 $0x0  }
0xb9: {  	v13 =	vadd.s32 s0, v0  }
0xba: {  	s0 =	sand.u32 $0x10, s0;
	v13 =	vand.u32 $0xF, v13  }
0xbb: {  	v14 =	vor.u32 s0, v13  }
0xbc: {  	v13 =	vshll.u32 v14, $0x7  }
0xbd: {  	s29 =	rddreg [dreg:$0x5];
	s1 =	simm.s32 $0x400;
	v15 =	vor.u32 v0, v13  }
0xbe: {  	[tilespmem:s23], [sflag:$0x5] =	stream.strided.gather [hbm4b:s29+s1], $0x1000, s14, s1, $0x38;
	[tilespmem:$0x11000] =	vst v63  }
0xbf: {  	s30 =	simm.s32 $0x1;
	_ =	swait.ge [sflag:s24], $0x1000;
	v16 =	vor.u32 v2, v13  }
0xc0: {  	v18 =	vadd.s32 s30, v0;
	[sflag:s24] =	ssyncset.done $0x0;
	v17 =	vor.u32 v3, v13  }
0xc1: {  	v18 =	vand.u32 $0xF, v18;
	s0 =	sand.u32 $0x10, s30;
	[sflag:s24] =	ssyncadd.s32 $0xFFFFF000;
	v19 =	vor.u32 v4, v13  }
0xc2: {  	v22 =	vor.u32 v1, v14;
	v13 =	vor.u32 s0, v18;
	v20 =	vld.idx.msk [tilespmem:v15+s23+$0x0], $0xffff  }
0xc3: {  	v21 =	vshll.u32 v13, $0x7  }
0xc4: {  	v24 =	vor.u32 v10, v14;
	v23 =	vld.idx.msk [tilespmem:v16+s23+$0x0], $0xffff;
	v16 =	vor.u32 v0, v21  }
0xc5: {  	v27 =	vor.u32 v11, v14;
	v26 =	vor.u32 v2, v21;
	v25 =	vld.idx.msk [tilespmem:v17+s23+$0x0], $0xffff  }
0xc6: {  	s31 =	simm.s32 $0x2;
	v18 =	vor.u32 v12, v14;
	v15 =	vld.idx.msk [tilespmem:v19+s23+$0x0], $0xffff;
	v17 =	vor.u32 v3, v21  }
0xc7: {  	v19 =	vadd.s32 s31, v0;
	[tilespmem:v22+s17+$0x0] =	vst.idx.msk $0xffff, v20;
	v20 =	vor.u32 v4, v21  }
0xc8: {  	s0 =	sand.u32 $0x10, s31;
	v14 =	vand.u32 $0xF, v19  }
0xc9: {  	v14 =	vor.u32 s0, v14;
	[tilespmem:v24+s17+$0x0] =	vst.idx.msk $0xffff, v23;
	v16 =	vld.idx.msk [tilespmem:v16+s23+$0x0], $0xffff  }
0xca: {  	s0 =	simm.s32 $0x3;
	v22 =	vshll.u32 v14, $0x7;
	v21 =	vor.u32 v1, v13;
	[tilespmem:v27+s17+$0x0] =	vst.idx.msk $0xffff, v25;
	v19 =	vld.idx.msk [tilespmem:v26+s23+$0x0], $0xffff  }
.LBB2_17:
0xcb: {  	p1 =	sne.s32 s0, $0x1F;
	v23 =	vor.u32 v0, v22;
	v24 =	vor.u32 v10, v13;
	v25 =	vld.idx.msk [tilespmem:v17+s23+$0x0], $0xffff;
	[tilespmem:v18+s17+$0x0] =	vst.idx.msk $0xffff, v15  }
0xcc: {  	v26 =	vor.u32 v2, v22;
	v27 =	vor.u32 v11, v13;
	v15 =	vld.idx.msk [tilespmem:v20+s23+$0x0], $0xffff  }
.Ltmp12:
0xcd: {  	v17 =	vor.u32 v3, v22;
	v18 =	vor.u32 v12, v13;
	v13 =	vmov v14;
	(pc) =	sbr.rel @p1 .LBB2_17-.Ltmp12, $4  }
0xce: {  	v14 =	vadd.s32 s0, v0;
	v20 =	vor.u32 v4, v22  }
0xcf: {  	s1 =	sand.u32 $0x10, s0;
	v14 =	vand.u32 $0xF, v14;
	[tilespmem:v21+s17+$0x0] =	vst.idx.msk $0xffff, v16  }
0xd0: {  	v14 =	vor.u32 s1, v14;
	v16 =	vld.idx.msk [tilespmem:v23+s23+$0x0], $0xffff;
	[tilespmem:v24+s17+$0x0] =	vst.idx.msk $0xffff, v19  }
0xd1: {  	s0 =	sadd.s32 $0x1, s0;
	v22 =	vshll.u32 v14, $0x7;
	v21 =	vor.u32 v1, v13;
	v19 =	vld.idx.msk [tilespmem:v26+s23+$0x0], $0xffff;
	[tilespmem:v27+s17+$0x0] =	vst.idx.msk $0xffff, v25  }
0xd2: {  	_ =	sdelay $0x2  }
0xd3: {  	v23 =	vor.u32 v0, v22;
	v24 =	vor.u32 v10, v13  }
0xd4: {  	v17 =	vld.idx.msk [tilespmem:v17+s23+$0x0], $0xffff;
	[tilespmem:v18+s17+$0x0] =	vst.idx.msk $0xffff, v15;
	v15 =	vor.u32 v2, v22;
	v60 =	vor.u32 v11, v13  }
0xd5: {  	v25 =	vor.u32 v3, v22;
	v13 =	vor.u32 v12, v13;
	v20 =	vld.idx.msk [tilespmem:v20+s23+$0x0], $0xffff  }
0xd6: {  	v61 =	vor.u32 v4, v22  }
0xd7: {  	[tilespmem:v21+s17+$0x0] =	vst.idx.msk $0xffff, v16  }
0xd8: {  	v62 =	vor.u32 v1, v14;
	v16 =	vld.idx.msk [tilespmem:v23+s23+$0x0], $0xffff;
	[tilespmem:v24+s17+$0x0] =	vst.idx.msk $0xffff, v19  }
0xd9: {  	v63 =	vor.u32 v10, v14;
	[tilespmem:v60+s17+$0x0] =	vst.idx.msk $0xffff, v17;
	v15 =	vld.idx.msk [tilespmem:v15+s23+$0x0], $0xffff  }
0xda: {  	v18 =	vld.idx.msk [tilespmem:v25+s23+$0x0], $0xffff;
	[tilespmem:v13+s17+$0x0] =	vst.idx.msk $0xffff, v20;
	v13 =	vor.u32 v11, v14  }
0xdb: {  	v14 =	vor.u32 v12, v14;
	v20 =	vld.idx.msk [tilespmem:v61+s23+$0x0], $0xffff;
	_ =	sdelay $0x1  }
0xdc: {  	[tilespmem:v62+s17+$0x0] =	vst.idx.msk $0xffff, v16  }
0xdd: {  	[tilespmem:v63+s17+$0x0] =	vst.idx.msk $0xffff, v15  }
0xde: {  	[tilespmem:v13+s17+$0x0] =	vst.idx.msk $0xffff, v18  }
.Ltmp13:
0xdf: {  	s0 =	rddreg [dreg:$0x6];
	[tilespmem:v14+s17+$0x0] =	vst.idx.msk $0xffff, v20;
	(pc) =	sbr.rel .LBB2_19-.Ltmp13, $4  }
0xe0: {  	[hbm4b:s0+s4] =	stream.linear.scatter [tilespmem:s17], [sflag:$0x5], $0x800, $0x38;
	[tilespmem:$0x11000] =	vst v63  }
0xe1: {  	_ =	swait.ge [sflag:s24], $0x800  }
0xe2: {  	[sflag:s24] =	ssyncset.done $0x0  }
0xe3: {  	[sflag:s24] =	ssyncadd.s32 $0xFFFFF800  }
.LBB2_20:
0xe4: {  	_ =	sfence.sel $0x180000  }
0xe5: {  	[bflag:$0x0] =	sbarrier.arrive $0xFFFF  }
0xe6: {  	_ =	strace $0x90000047  }
0xe7: {  	s0 =	stileid.u32;
	[bflag:$0x2] =	sbarrier.arrive $0xFFFF  }
0xe8: {  	p0 =	sne.s32 s0, $0x0;
	s0 =	rddreg [dreg:$0x2]  }
0xe9: {  	s0 =	sadd.s32 @!p0 $0x100000, s0  }
0xea: {  	[sflag:s0] =	ssyncadd.tile.s32 @!p0 $0x1;
	_ =	shalt  }
.Lfunc_end2:
_tile_overlayer_lowered:
.L_overlay_start_2:
0xeb: {  	(tag) =	ssettag $0x2  }
0xec: {  	s0 =	rddreg [dreg:$0x0];
	s2 =	stileid.u32  }
0xed: {  	s1 =	rddreg [dreg:$0x1];
	p0 =	sne.s32 s2, $0x0  }
0xee: {  	s3 =	rddreg [dreg:$0x2];
	[bflag:$0x3] =	sbarrier.arrive $0xFFFF;
	s2 =	simm.s32 @!p0 $0x1C05  }
0xef: {  	[timem:s3], [sflag:s2] =	dma.local @!p0 [hbm:s0], s1  }
0xf0: {  	s0 =	simm.s32 @!p0 $0x5  }
0xf1: {  	_ =	swait.ge @!p0 [sflag:s0], s1  }
0xf2: {  	s1 =	ssub.s32 @!p0 $0x0, s1;
	[sflag:s0] =	ssyncset.done @!p0 $0x0  }
0xf3: {  	[sflag:s0] =	ssyncadd.s32 @!p0 s1  }
0xf4: {  	[bflag:$0x3] =	sbarrier.arrive $0xFFFF  }
0xf5: {  	_ =	shalt  }

</sc_bundles>
